<compile_context>
chip_gen: v7x
topology: tpu7x:2x2x1
jax: 0.10.2.dev20260603
libtpu: 0.0.44.dev20260713+nightly
codegen_flags: <defaults>
</compile_context>

<pallas_src>
import functools

import jax
import jax.numpy as jnp
from jax import lax
from jax.experimental import pallas as pl
from jax.experimental.pallas import tpu as pltpu
from jax.experimental.pallas import tpu_sc as plsc

NUM_CLASSES = 1000
EMB_DIM = 128
NUM_SAMPLES = 100000
BATCH = 4096
LAMBDA_C = 1.0
LAMBDA_B = 1.0
LAMBDA_ELR = 3.0
EMA = 0.9

ROWS = 512
GRID = BATCH // ROWS


OUT_W = 1024
RP_ROWS = 2048
RP_GRID = -(-NUM_SAMPLES // RP_ROWS)
CHUNK = 64


def _repack_body(tin_ref, out_ref):
    blk = tin_ref[...]
    tr = lax.transpose(blk, (1, 0))
    pad = jnp.zeros((RP_ROWS, OUT_W - NUM_CLASSES), jnp.float32)
    out_ref[...] = jnp.concatenate([tr, pad], axis=1)


def _repack_tc(table_t):
    return pl.pallas_call(
        _repack_body,
        grid=(RP_GRID,),
        in_specs=[pl.BlockSpec((NUM_CLASSES, RP_ROWS), lambda i: (0, i))],
        out_specs=pl.BlockSpec((RP_ROWS, OUT_W), lambda i: (i, 0)),
        out_shape=jax.ShapeDtypeStruct((NUM_SAMPLES, OUT_W), jnp.float32),
    )(table_t)


@functools.cache
def _make_sc_gather():
    info = plsc.get_sparse_core_info()
    ncores, nsub = info.num_cores, info.num_subcores
    nworkers = ncores * nsub
    bpw = BATCH // nworkers
    nchunks = bpw // CHUNK
    mesh = plsc.VectorSubcoreMesh(core_axis_name="c", subcore_axis_name="s")

    @functools.partial(
        pl.kernel,
        mesh=mesh,
        out_type=jax.ShapeDtypeStruct((BATCH, OUT_W), jnp.float32),
        scratch_types=[
            pltpu.VMEM((CHUNK,), jnp.int32),
            pltpu.VMEM((CHUNK, OUT_W), jnp.float32),
            pltpu.SemaphoreType.DMA,
        ],
    )
    def gather_k(table_hbm, idx_hbm, out_hbm, idx_v, rows_v, sem0):
        wid = lax.axis_index("s") * ncores + lax.axis_index("c")
        for j in range(nchunks):
            base = wid * bpw + j * CHUNK
            pltpu.sync_copy(idx_hbm.at[pl.ds(base, CHUNK)], idx_v)
            pltpu.async_copy(table_hbm.at[idx_v], rows_v, sem0).wait()
            pltpu.sync_copy(rows_v, out_hbm.at[pl.ds(base, CHUNK)])

    return gather_k


def _loss_body(logit_ref, alt_ref, q_ref, t_ref, emb_ref, cent_ref, u_ref,
               out_ref, acc):
    i = pl.program_id(0)

    x = logit_ref[...]
    a = alt_ref[...]

    m1 = jnp.max(x, axis=0, keepdims=True)
    e1 = jnp.exp(x - m1)
    s1 = jnp.sum(e1, axis=0, keepdims=True)
    p1 = e1 / s1
    logp1 = (x - m1) - jnp.log(s1)

    m2 = jnp.max(a, axis=0, keepdims=True)
    e2 = jnp.exp(a - m2)
    s2 = jnp.sum(e2, axis=0, keepdims=True)
    p2 = e2 / s2
    logp2 = (a - m2) - jnp.log(s2)

    t = t_ref[0]
    cls = lax.broadcasted_iota(jnp.int32, (NUM_CLASSES, ROWS), 0)
    oh = (cls == t).astype(jnp.float32)

    ce_part = jnp.sum(logp1 * oh)

    embv = emb_ref[...]
    cent = cent_ref[...]
    dot = lax.dot_general(cent, embv, (((1,), (1,)), ((), ())),
                          preferred_element_type=jnp.float32)
    ones = jnp.ones((1, EMB_DIM), jnp.float32)
    en2 = lax.dot_general(ones, embv * embv, (((1,), (1,)), ((), ())),
                          preferred_element_type=jnp.float32)
    cn2 = jnp.sum(cent * cent, axis=1, keepdims=True)
    denom = jnp.maximum(jnp.sqrt(cn2) * jnp.sqrt(en2), 1e-8)
    sim = dot / denom
    ms = jnp.max(sim, axis=0, keepdims=True)
    es = jnp.exp(sim - ms)
    soft = es / jnp.sum(es, axis=0, keepdims=True)

    s2t_part = jnp.sum(soft * oh)
    softsq_part = jnp.sum(soft * soft)

    klc_part = jnp.sum((p1 - p2) * (logp1 - logp2))
    logavg_part = jnp.sum(jnp.log(0.5 * (p1 + p2)))

    p1n = lax.transpose(p1, (1, 0))
    qp = q_ref[...]
    q = EMA * qp[:, :NUM_CLASSES] + (1.0 - EMA) * p1n
    elr_part = jnp.sum(p1n * jnp.log(1.0 - q + 1e-6))

    @pl.when(i == 0)
    def _init():
        acc[0] = ce_part
        acc[1] = s2t_part
        acc[2] = softsq_part
        acc[3] = klc_part
        acc[4] = logavg_part
        acc[5] = elr_part

    @pl.when(i > 0)
    def _accum():
        acc[0] += ce_part
        acc[1] += s2t_part
        acc[2] += softsq_part
        acc[3] += klc_part
        acc[4] += logavg_part
        acc[5] += elr_part

    @pl.when(i == GRID - 1)
    def _finish():
        bf = float(BATCH)
        cf = float(NUM_CLASSES)
        ce = -acc[0] / bf
        mse = (acc[2] - 2.0 * acc[1] + bf) / (bf * cf)
        reg = (1.0 - acc[1] / bf) * u_ref[0, 0]
        klc = acc[3] / bf
        klb = -jnp.log(cf) - acc[4] / (bf * cf)
        elr = -acc[5] / bf
        out_ref[0, 0] = (ce + mse + reg + LAMBDA_C * klc + LAMBDA_B * klb
                         + LAMBDA_ELR * elr)


def _loss_tc(logits_t, alt_t, qrows, targets3, embeddings, centroids, u2d):
    return pl.pallas_call(
        _loss_body,
        grid=(GRID,),
        in_specs=[
            pl.BlockSpec((NUM_CLASSES, ROWS), lambda i: (0, i)),
            pl.BlockSpec((NUM_CLASSES, ROWS), lambda i: (0, i)),
            pl.BlockSpec((ROWS, OUT_W), lambda i: (i, 0)),
            pl.BlockSpec((1, 1, ROWS), lambda i: (i, 0, 0)),
            pl.BlockSpec((ROWS, EMB_DIM), lambda i: (i, 0)),
            pl.BlockSpec((NUM_CLASSES, EMB_DIM), lambda i: (0, 0)),
            pl.BlockSpec(memory_space=pltpu.SMEM),
        ],
        out_specs=pl.BlockSpec(memory_space=pltpu.SMEM),
        out_shape=jax.ShapeDtypeStruct((1, 1), jnp.float32),
        scratch_shapes=[pltpu.SMEM((8,), jnp.float32)],
    )(logits_t, alt_t, qrows, targets3, embeddings, centroids, u2d)


def kernel(embeddings, logits, targets, alt_logits, indices, centroids, u,
           target_probs):
    tp_rows = _repack_tc(jnp.swapaxes(target_probs, 0, 1))
    qrows = _make_sc_gather()(tp_rows, indices.astype(jnp.int32))
    loss = _loss_tc(
        jnp.swapaxes(logits, 0, 1),
        jnp.swapaxes(alt_logits, 0, 1),
        qrows,
        targets.astype(jnp.int32).reshape(GRID, 1, ROWS),
        embeddings,
        centroids,
        u.reshape(1, 1).astype(jnp.float32),
    )
    return loss.reshape(1)

# --- scband reference (transcript-rebuilt; emitter-appended) ---
"""Pipeline reference for scband-ncodplus-loss-41231686042372 (READ-ONLY COPY).

The authoritative reference and input builder live on the scoring server;
editing this copy changes nothing except your own understanding.
"""

import jax, jax.numpy as jnp
import numpy as np

NUM_CLASSES = 1000
EMB_DIM = 128
NUM_SAMPLES = 100000
BATCH = 4096
LAMBDA_C = 1.0
LAMBDA_B = 1.0
LAMBDA_ELR = 3.0
EMA = 0.9


def setup_inputs(seed: int = 0) -> dict:
    key = jax.random.key(seed)
    ks = jax.random.split(key, 7)
    embeddings = jax.random.normal(ks[0], (BATCH, EMB_DIM), dtype=jnp.float32)
    logits = jax.random.normal(ks[1], (BATCH, NUM_CLASSES), dtype=jnp.float32)
    alt_logits = jax.random.normal(ks[2], (BATCH, NUM_CLASSES), dtype=jnp.float32)
    targets = jax.random.randint(ks[3], (BATCH,), 0, NUM_CLASSES, dtype=jnp.int64 if jax.config.jax_enable_x64 else jnp.int32)
    indices = jax.random.randint(ks[4], (BATCH,), 0, NUM_SAMPLES, dtype=jnp.int64 if jax.config.jax_enable_x64 else jnp.int32)
    # learned / buffer state sized per init_kwargs
    centroids = jax.random.normal(ks[5], (NUM_CLASSES, EMB_DIM), dtype=jnp.float32)
    u = jnp.ones((1,), dtype=jnp.float32)
    target_probs = jax.random.uniform(ks[6], (NUM_SAMPLES, NUM_CLASSES), dtype=jnp.float32) * 0.5
    return {
        'embeddings': embeddings,
        'logits': logits,
        'targets': targets,
        'alt_logits': alt_logits,
        'indices': indices,
        'centroids': centroids,
        'u': u,
        'target_probs': target_probs,
    }


def _cosine_sim(emb, cent):
    dot = emb @ cent.T
    en = jnp.linalg.norm(emb, axis=1)
    cn = jnp.linalg.norm(cent, axis=1)
    denom = jnp.maximum(en[:, None] * cn[None, :], 1e-8)
    return dot / denom


def reference(embeddings, logits, targets, alt_logits, indices, centroids, u, target_probs):
    # cross entropy
    logp = jax.nn.log_softmax(logits, axis=1)
    ce_loss = -jnp.mean(jnp.take_along_axis(logp, targets[:, None], axis=1)[:, 0])
    # cosine similarity to class centroids -> soft labels
    sim = _cosine_sim(embeddings, centroids)
    soft_labels = jax.nn.softmax(sim, axis=1)
    one_hot = jax.nn.one_hot(targets, NUM_CLASSES, dtype=jnp.float32)
    similarity_to_target = jnp.sum(soft_labels * one_hot, axis=1)
    discount = 1.0 - similarity_to_target
    reg_term = jnp.mean(discount) * u  # shape (1,) like torch
    mse_term = jnp.mean((soft_labels - one_hot) ** 2)
    loss = ce_loss + mse_term + reg_term
    # consistency + balance KL terms
    p1 = jax.nn.softmax(logits, axis=1)
    p2 = jax.nn.softmax(alt_logits, axis=1)
    avg_pred = (p1 + p2) / 2.0
    uniform = jnp.full_like(avg_pred, 1.0 / NUM_CLASSES)
    B = logits.shape[0]
    kl_c = jnp.sum(p2 * (jnp.log(p2) - jnp.log(p1))) / B + jnp.sum(p1 * (jnp.log(p1) - jnp.log(p2))) / B
    kl_b = jnp.sum(uniform * (jnp.log(uniform) - jnp.log(avg_pred))) / B
    loss = loss + LAMBDA_C * kl_c + LAMBDA_B * kl_b
    # ELR: EMA scatter-update into target_probs, then gather
    probs = jax.lax.stop_gradient(jax.nn.softmax(logits, axis=1))
    old_rows = target_probs[indices]
    new_rows = EMA * old_rows + (1.0 - EMA) * probs
    updated = target_probs.at[indices].set(new_rows)
    q_i = updated[indices]
    elr_reg = -jnp.mean(jnp.sum(jax.nn.softmax(logits, axis=1) * jnp.log(1.0 - q_i + 1e-06), axis=1))
    loss = loss + LAMBDA_ELR * elr_reg
    return loss

if __name__ == "__main__":
    import jax
    _d = setup_inputs()
    print(jax.jit(kernel)(*tuple(_d.values())))

</pallas_src>

<mosaic_0001>
#map = affine_map<(d0, d1) -> (0, 0)>
#map1 = affine_map<(d0, d1) -> (0)>
module attributes {stable_mosaic.version = 14 : i64} {
  func.func @gather_k(%arg0: i32, %arg1: i32, %arg2: memref<100000x1024xf32, #tpu.memory_space<hbm>>, %arg3: memref<4096xi32, #tpu.memory_space<hbm>>, %arg4: memref<4096x1024xf32, #tpu.memory_space<hbm>>, %arg5: memref<64xi32, #tpu.memory_space<vmem>>, %arg6: memref<64x1024xf32, #tpu.memory_space<vmem>>, %arg7: memref<!tpu.dma_semaphore, #tpu.memory_space<semaphore_mem>>) attributes {dimension_semantics = [#tpu.dimension_semantics<core_parallel>, #tpu.dimension_semantics<subcore_parallel>], iteration_bounds = array<i64: 2, 16>, scalar_prefetch = 0 : i64, scratch_operands = 3 : i64, tpu.core_type = #tpu.core_type<sc_vector_subcore>, window_params = [{transform_indices = #map}, {transform_indices = #map1}, {transform_indices = #map}]} {
    %mul3A = arith.constant 2 : i32
    %mul3A_0 = arith.muli %arg1, %mul3A : i32
    %add3A = arith.addi %mul3A_0, %arg0 : i32
    %mul3A_1 = arith.constant 128 : i32
    %mul3A_2 = arith.muli %add3A, %mul3A_1 : i32
    %add3A_3 = arith.constant 0 : i32
    %add3A_4 = arith.addi %mul3A_2, %add3A_3 : i32
    "tpu.region"() ({
      %run_scoped3A = tpu.sem_alloc : memref<!tpu.dma_semaphore, #tpu.memory_space<semaphore_mem>>
      %dma_start3A_19 = tpu.memref_slice %arg3[%add3A_4] : memref<4096xi32, #tpu.memory_space<hbm>> -> memref<64xi32, #tpu.memory_space<hbm>>
      %dma_start3A_20 = tpu.memref_slice %arg3[%add3A_4] : memref<4096xi32, #tpu.memory_space<hbm>> -> memref<64xi32, #tpu.memory_space<hbm>>
      tpu.enqueue_dma source(%dma_start3A_20 : memref<64xi32, #tpu.memory_space<hbm>>) target(%arg5 : memref<64xi32, #tpu.memory_space<vmem>>) target_semaphore(%run_scoped3A : memref<!tpu.dma_semaphore, #tpu.memory_space<semaphore_mem>>)
      %dma_wait3A_21 = tpu.memref_slice %arg3[%add3A_4] : memref<4096xi32, #tpu.memory_space<hbm>> -> memref<64xi32, #tpu.memory_space<hbm>>
      %dma_wait3A_22 = tpu.memref_slice %arg3[%add3A_4] : memref<4096xi32, #tpu.memory_space<hbm>> -> memref<64xi32, #tpu.memory_space<hbm>>
      tpu.wait_dma2 semaphore(%run_scoped3A : memref<!tpu.dma_semaphore, #tpu.memory_space<semaphore_mem>>) src(%dma_wait3A_22 : memref<64xi32, #tpu.memory_space<hbm>>) dst(%arg5 : memref<64xi32, #tpu.memory_space<vmem>>)
      tpu.yield
    }) : () -> ()
    %dma_start3A = arith.constant 0 : i32
    %dma_start3A_5 = arith.constant 0 : i32
    %dma_start3A_6 = tpu.memref_slice %arg2[%dma_start3A, %dma_start3A_5] : memref<100000x1024xf32, #tpu.memory_space<hbm>> -> memref<100000x1024xf32, #tpu.memory_space<hbm>>
    tpu.enqueue_indirect_dma source(%dma_start3A_6 : memref<100000x1024xf32, #tpu.memory_space<hbm>>) target(%arg6 : memref<64x1024xf32, #tpu.memory_space<vmem>>) offsets(%arg5 : memref<64xi32, #tpu.memory_space<vmem>>) semaphore(%arg7 : memref<!tpu.dma_semaphore, #tpu.memory_space<semaphore_mem>>)
    %dma_wait3A = arith.constant 0 : i32
    %dma_wait3A_7 = arith.constant 0 : i32
    %dma_wait3A_8 = tpu.memref_slice %arg2[%dma_wait3A, %dma_wait3A_7] : memref<100000x1024xf32, #tpu.memory_space<hbm>> -> memref<100000x1024xf32, #tpu.memory_space<hbm>>
    tpu.wait_indirect_dma semaphore(%arg7 : memref<!tpu.dma_semaphore, #tpu.memory_space<semaphore_mem>>) src(%dma_wait3A_8 : memref<100000x1024xf32, #tpu.memory_space<hbm>>) dst(%arg6 : memref<64x1024xf32, #tpu.memory_space<vmem>>)
    "tpu.region"() ({
      %run_scoped3A = tpu.sem_alloc : memref<!tpu.dma_semaphore, #tpu.memory_space<semaphore_mem>>
      %dma_start3A_19 = arith.constant 0 : i32
      %dma_start3A_20 = tpu.memref_slice %arg4[%add3A_4, %dma_start3A_19] : memref<4096x1024xf32, #tpu.memory_space<hbm>> -> memref<64x1024xf32, #tpu.memory_space<hbm>>
      %dma_start3A_21 = arith.constant 0 : i32
      %dma_start3A_22 = tpu.memref_slice %arg4[%add3A_4, %dma_start3A_21] : memref<4096x1024xf32, #tpu.memory_space<hbm>> -> memref<64x1024xf32, #tpu.memory_space<hbm>>
      tpu.enqueue_dma source(%arg6 : memref<64x1024xf32, #tpu.memory_space<vmem>>) target(%dma_start3A_22 : memref<64x1024xf32, #tpu.memory_space<hbm>>) target_semaphore(%run_scoped3A : memref<!tpu.dma_semaphore, #tpu.memory_space<semaphore_mem>>)
      %dma_wait3A_23 = arith.constant 0 : i32
      %dma_wait3A_24 = tpu.memref_slice %arg4[%add3A_4, %dma_wait3A_23] : memref<4096x1024xf32, #tpu.memory_space<hbm>> -> memref<64x1024xf32, #tpu.memory_space<hbm>>
      %dma_wait3A_25 = arith.constant 0 : i32
      %dma_wait3A_26 = tpu.memref_slice %arg4[%add3A_4, %dma_wait3A_25] : memref<4096x1024xf32, #tpu.memory_space<hbm>> -> memref<64x1024xf32, #tpu.memory_space<hbm>>
      tpu.wait_dma2 semaphore(%run_scoped3A : memref<!tpu.dma_semaphore, #tpu.memory_space<semaphore_mem>>) src(%arg6 : memref<64x1024xf32, #tpu.memory_space<vmem>>) dst(%dma_wait3A_26 : memref<64x1024xf32, #tpu.memory_space<hbm>>)
      tpu.yield
    }) : () -> ()
    %mul3A_9 = arith.constant 128 : i32
    %mul3A_10 = arith.muli %add3A, %mul3A_9 : i32
    %add3A_11 = arith.constant 64 : i32
    %add3A_12 = arith.addi %mul3A_10, %add3A_11 : i32
    "tpu.region"() ({
      %run_scoped3A = tpu.sem_alloc : memref<!tpu.dma_semaphore, #tpu.memory_space<semaphore_mem>>
      %dma_start3A_19 = tpu.memref_slice %arg3[%add3A_12] : memref<4096xi32, #tpu.memory_space<hbm>> -> memref<64xi32, #tpu.memory_space<hbm>>
      %dma_start3A_20 = tpu.memref_slice %arg3[%add3A_12] : memref<4096xi32, #tpu.memory_space<hbm>> -> memref<64xi32, #tpu.memory_space<hbm>>
      tpu.enqueue_dma source(%dma_start3A_20 : memref<64xi32, #tpu.memory_space<hbm>>) target(%arg5 : memref<64xi32, #tpu.memory_space<vmem>>) target_semaphore(%run_scoped3A : memref<!tpu.dma_semaphore, #tpu.memory_space<semaphore_mem>>)
      %dma_wait3A_21 = tpu.memref_slice %arg3[%add3A_12] : memref<4096xi32, #tpu.memory_space<hbm>> -> memref<64xi32, #tpu.memory_space<hbm>>
      %dma_wait3A_22 = tpu.memref_slice %arg3[%add3A_12] : memref<4096xi32, #tpu.memory_space<hbm>> -> memref<64xi32, #tpu.memory_space<hbm>>
      tpu.wait_dma2 semaphore(%run_scoped3A : memref<!tpu.dma_semaphore, #tpu.memory_space<semaphore_mem>>) src(%dma_wait3A_22 : memref<64xi32, #tpu.memory_space<hbm>>) dst(%arg5 : memref<64xi32, #tpu.memory_space<vmem>>)
      tpu.yield
    }) : () -> ()
    %dma_start3A_13 = arith.constant 0 : i32
    %dma_start3A_14 = arith.constant 0 : i32
    %dma_start3A_15 = tpu.memref_slice %arg2[%dma_start3A_13, %dma_start3A_14] : memref<100000x1024xf32, #tpu.memory_space<hbm>> -> memref<100000x1024xf32, #tpu.memory_space<hbm>>
    tpu.enqueue_indirect_dma source(%dma_start3A_15 : memref<100000x1024xf32, #tpu.memory_space<hbm>>) target(%arg6 : memref<64x1024xf32, #tpu.memory_space<vmem>>) offsets(%arg5 : memref<64xi32, #tpu.memory_space<vmem>>) semaphore(%arg7 : memref<!tpu.dma_semaphore, #tpu.memory_space<semaphore_mem>>)
    %dma_wait3A_16 = arith.constant 0 : i32
    %dma_wait3A_17 = arith.constant 0 : i32
    %dma_wait3A_18 = tpu.memref_slice %arg2[%dma_wait3A_16, %dma_wait3A_17] : memref<100000x1024xf32, #tpu.memory_space<hbm>> -> memref<100000x1024xf32, #tpu.memory_space<hbm>>
    tpu.wait_indirect_dma semaphore(%arg7 : memref<!tpu.dma_semaphore, #tpu.memory_space<semaphore_mem>>) src(%dma_wait3A_18 : memref<100000x1024xf32, #tpu.memory_space<hbm>>) dst(%arg6 : memref<64x1024xf32, #tpu.memory_space<vmem>>)
    "tpu.region"() ({
      %run_scoped3A = tpu.sem_alloc : memref<!tpu.dma_semaphore, #tpu.memory_space<semaphore_mem>>
      %dma_start3A_19 = arith.constant 0 : i32
      %dma_start3A_20 = tpu.memref_slice %arg4[%add3A_12, %dma_start3A_19] : memref<4096x1024xf32, #tpu.memory_space<hbm>> -> memref<64x1024xf32, #tpu.memory_space<hbm>>
      %dma_start3A_21 = arith.constant 0 : i32
      %dma_start3A_22 = tpu.memref_slice %arg4[%add3A_12, %dma_start3A_21] : memref<4096x1024xf32, #tpu.memory_space<hbm>> -> memref<64x1024xf32, #tpu.memory_space<hbm>>
      tpu.enqueue_dma source(%arg6 : memref<64x1024xf32, #tpu.memory_space<vmem>>) target(%dma_start3A_22 : memref<64x1024xf32, #tpu.memory_space<hbm>>) target_semaphore(%run_scoped3A : memref<!tpu.dma_semaphore, #tpu.memory_space<semaphore_mem>>)
      %dma_wait3A_23 = arith.constant 0 : i32
      %dma_wait3A_24 = tpu.memref_slice %arg4[%add3A_12, %dma_wait3A_23] : memref<4096x1024xf32, #tpu.memory_space<hbm>> -> memref<64x1024xf32, #tpu.memory_space<hbm>>
      %dma_wait3A_25 = arith.constant 0 : i32
      %dma_wait3A_26 = tpu.memref_slice %arg4[%add3A_12, %dma_wait3A_25] : memref<4096x1024xf32, #tpu.memory_space<hbm>> -> memref<64x1024xf32, #tpu.memory_space<hbm>>
      tpu.wait_dma2 semaphore(%run_scoped3A : memref<!tpu.dma_semaphore, #tpu.memory_space<semaphore_mem>>) src(%arg6 : memref<64x1024xf32, #tpu.memory_space<vmem>>) dst(%dma_wait3A_26 : memref<64x1024xf32, #tpu.memory_space<hbm>>)
      tpu.yield
    }) : () -> ()
    return
  }
}

module attributes {stable_mosaic.version = 14 : i64} {
  func.func @_loss_body(%arg0: i32, %arg1: memref<1000x512xf32, #tpu.memory_space<vmem>>, %arg2: memref<1000x512xf32, #tpu.memory_space<vmem>>, %arg3: memref<512x1024xf32, #tpu.memory_space<vmem>>, %arg4: memref<1x1x512xi32, #tpu.memory_space<vmem>>, %arg5: memref<512x128xf32, #tpu.memory_space<vmem>>, %arg6: memref<1000x128xf32, #tpu.memory_space<vmem>>, %arg7: memref<1x1xf32, #tpu.memory_space<smem>>, %arg8: memref<1x1xf32, #tpu.memory_space<smem>>, %arg9: memref<8xf32, #tpu.memory_space<smem>>) attributes {dimension_semantics = [#tpu.dimension_semantics<arbitrary>], iteration_bounds = array<i64: 8>, scalar_prefetch = 0 : i64, scratch_operands = 1 : i64, tpu.core_type = #tpu.core_type<tc>, window_params = [{transform_indices = @transform_0, window_bounds = array<i64: 1000, 512>}, {transform_indices = @transform_1, window_bounds = array<i64: 1000, 512>}, {transform_indices = @transform_2, window_bounds = array<i64: 512, 1024>}, {transform_indices = @transform_3, window_bounds = array<i64: 1, 1, 512>}, {transform_indices = @transform_4, window_bounds = array<i64: 512, 128>}, {pipeline_mode = #tpu.pipeline_mode<synchronous>, transform_indices = @transform_5, window_bounds = array<i64: 1000, 128>}, {transform_indices = @transform_6, window_bounds = array<i64: 1, 1>}, {transform_indices = @transform_7, window_bounds = array<i64: 1, 1>}]} {
    %get3A = arith.constant 0 : index
    %get3A_0 = arith.constant 0 : index
    %get3A_1 = vector.load %arg1[%get3A, %get3A_0] : memref<1000x512xf32, #tpu.memory_space<vmem>>, vector<1000x512xf32>
    %get3A_2 = arith.constant 0 : index
    %get3A_3 = arith.constant 0 : index
    %get3A_4 = vector.load %arg2[%get3A_2, %get3A_3] : memref<1000x512xf32, #tpu.memory_space<vmem>>, vector<1000x512xf32>
    %reduce_max3A = arith.constant dense<0xFF800000> : vector<512xf32>
    %reduce_max3A_5 = vector.multi_reduction <maximumf>, %get3A_1, %reduce_max3A [0] : vector<1000x512xf32> to vector<512xf32>
    %broadcast_in_dim3A = vector.shape_cast %reduce_max3A_5 : vector<512xf32> to vector<1x512xf32>
    %sub3A = vector.broadcast %broadcast_in_dim3A : vector<1x512xf32> to vector<1000x512xf32>
    %sub3A_6 = arith.subf %get3A_1, %sub3A : vector<1000x512xf32>
    %exp3A = math.exp %sub3A_6 : vector<1000x512xf32>
    %reduce_sum3A = arith.constant dense<0.000000e+00> : vector<512xf32>
    %reduce_sum3A_7 = vector.multi_reduction <add>, %exp3A, %reduce_sum3A [0] : vector<1000x512xf32> to vector<512xf32>
    %broadcast_in_dim3A_8 = vector.shape_cast %reduce_sum3A_7 : vector<512xf32> to vector<1x512xf32>
    %div3A = vector.broadcast %broadcast_in_dim3A_8 : vector<1x512xf32> to vector<1000x512xf32>
    %div3A_9 = arith.divf %exp3A, %div3A : vector<1000x512xf32>
    %sub3A_10 = vector.broadcast %broadcast_in_dim3A : vector<1x512xf32> to vector<1000x512xf32>
    %sub3A_11 = arith.subf %get3A_1, %sub3A_10 : vector<1000x512xf32>
    %log3A = math.log %broadcast_in_dim3A_8 : vector<1x512xf32>
    %sub3A_12 = vector.broadcast %log3A : vector<1x512xf32> to vector<1000x512xf32>
    %sub3A_13 = arith.subf %sub3A_11, %sub3A_12 : vector<1000x512xf32>
    %reduce_max3A_14 = arith.constant dense<0xFF800000> : vector<512xf32>
    %reduce_max3A_15 = vector.multi_reduction <maximumf>, %get3A_4, %reduce_max3A_14 [0] : vector<1000x512xf32> to vector<512xf32>
    %broadcast_in_dim3A_16 = vector.shape_cast %reduce_max3A_15 : vector<512xf32> to vector<1x512xf32>
    %sub3A_17 = vector.broadcast %broadcast_in_dim3A_16 : vector<1x512xf32> to vector<1000x512xf32>
    %sub3A_18 = arith.subf %get3A_4, %sub3A_17 : vector<1000x512xf32>
    %exp3A_19 = math.exp %sub3A_18 : vector<1000x512xf32>
    %reduce_sum3A_20 = arith.constant dense<0.000000e+00> : vector<512xf32>
    %reduce_sum3A_21 = vector.multi_reduction <add>, %exp3A_19, %reduce_sum3A_20 [0] : vector<1000x512xf32> to vector<512xf32>
    %broadcast_in_dim3A_22 = vector.shape_cast %reduce_sum3A_21 : vector<512xf32> to vector<1x512xf32>
    %div3A_23 = vector.broadcast %broadcast_in_dim3A_22 : vector<1x512xf32> to vector<1000x512xf32>
    %div3A_24 = arith.divf %exp3A_19, %div3A_23 : vector<1000x512xf32>
    %sub3A_25 = vector.broadcast %broadcast_in_dim3A_16 : vector<1x512xf32> to vector<1000x512xf32>
    %sub3A_26 = arith.subf %get3A_4, %sub3A_25 : vector<1000x512xf32>
    %log3A_27 = math.log %broadcast_in_dim3A_22 : vector<1x512xf32>
    %sub3A_28 = vector.broadcast %log3A_27 : vector<1x512xf32> to vector<1000x512xf32>
    %sub3A_29 = arith.subf %sub3A_26, %sub3A_28 : vector<1000x512xf32>
    %get3A_30 = arith.constant 0 : index
    %get3A_31 = arith.constant 0 : index
    %get3A_32 = arith.constant 0 : index
    %get3A_33 = vector.load %arg4[%get3A_30, %get3A_31, %get3A_32] : memref<1x1x512xi32, #tpu.memory_space<vmem>>, vector<1x1x512xi32>
    %get3A_34 = vector.shape_cast %get3A_33 : vector<1x1x512xi32> to vector<1x512xi32>
    %iota3A = tpu.iota {dimensions = array<i32: 0>} : vector<1000x512xi32>
    %eq3A = vector.broadcast %get3A_34 : vector<1x512xi32> to vector<1000x512xi32>
    %eq3A_35 = arith.cmpi eq, %iota3A, %eq3A : vector<1000x512xi32>
    %convert_element_type3A = arith.extui %eq3A_35 : vector<1000x512xi1> to vector<1000x512xi32>
    %convert_element_type3A_36 = arith.sitofp %convert_element_type3A : vector<1000x512xi32> to vector<1000x512xf32>
    %mul3A = arith.mulf %sub3A_13, %convert_element_type3A_36 : vector<1000x512xf32>
    %reduce_sum3A_37 = vector.shape_cast %mul3A : vector<1000x512xf32> to vector<1x1000x512xf32>
    %reduce_sum3A_38 = arith.constant dense<0.000000e+00> : vector<1xf32>
    %reduce_sum3A_39 = vector.multi_reduction <add>, %reduce_sum3A_37, %reduce_sum3A_38 [1, 2] : vector<1x1000x512xf32> to vector<1xf32>
    %reduce_sum3A_40 = vector.shape_cast %reduce_sum3A_39 : vector<1xf32> to vector<1x1x1xf32>
    %reduce_sum3A_41 = vector.extract %reduce_sum3A_40[0, 0, 0] : f32 from vector<1x1x1xf32>
    %get3A_42 = arith.constant 0 : index
    %get3A_43 = arith.constant 0 : index
    %get3A_44 = vector.load %arg5[%get3A_42, %get3A_43] : memref<512x128xf32, #tpu.memory_space<vmem>>, vector<512x128xf32>
    %get3A_45 = arith.constant 0 : index
    %get3A_46 = arith.constant 0 : index
    %get3A_47 = vector.load %arg6[%get3A_45, %get3A_46] : memref<1000x128xf32, #tpu.memory_space<vmem>>, vector<1000x128xf32>
    %dot_general3A = arith.constant dense<0.000000e+00> : vector<1000x512xf32>
    %dot_general3A_48 = tpu.matmul %get3A_47, %get3A_44, %dot_general3A {dimension_numbers = #tpu.dot_dimension_numbers<[1], [1], [0], [0], [0, 0, 1, 0], [], []>, transpose_lhs_hint = false} : vector<1000x128xf32>, vector<512x128xf32>, vector<1000x512xf32> -> vector<1000x512xf32>
    %broadcast_in_dim3A_49 = arith.constant 1.000000e+00 : f32
    %broadcast_in_dim3A_50 = vector.broadcast %broadcast_in_dim3A_49 : f32 to vector<1x128xf32>
    %mul3A_51 = arith.mulf %get3A_44, %get3A_44 : vector<512x128xf32>
    %dot_general3A_52 = arith.constant dense<0.000000e+00> : vector<1x512xf32>
    %dot_general3A_53 = tpu.matmul %broadcast_in_dim3A_50, %mul3A_51, %dot_general3A_52 {dimension_numbers = #tpu.dot_dimension_numbers<[1], [1], [0], [0], [0, 0, 1, 0], [], []>, transpose_lhs_hint = false} : vector<1x128xf32>, vector<512x128xf32>, vector<1x512xf32> -> vector<1x512xf32>
    %mul3A_54 = arith.mulf %get3A_47, %get3A_47 : vector<1000x128xf32>
    %reduce_sum3A_55 = arith.constant dense<0.000000e+00> : vector<1000xf32>
    %reduce_sum3A_56 = vector.multi_reduction <add>, %mul3A_54, %reduce_sum3A_55 [1] : vector<1000x128xf32> to vector<1000xf32>
    %broadcast_in_dim3A_57 = vector.shape_cast %reduce_sum3A_56 : vector<1000xf32> to vector<1000x1xf32>
    %sqrt3A = math.sqrt %broadcast_in_dim3A_57 : vector<1000x1xf32>
    %sqrt3A_58 = math.sqrt %dot_general3A_53 : vector<1x512xf32>
    %mul3A_59 = vector.broadcast %sqrt3A : vector<1000x1xf32> to vector<1000x512xf32>
    %mul3A_60 = vector.broadcast %sqrt3A_58 : vector<1x512xf32> to vector<1000x512xf32>
    %mul3A_61 = arith.mulf %mul3A_59, %mul3A_60 : vector<1000x512xf32>
    %max3A = arith.constant 9.99999993E-9 : f32
    %max3A_62 = vector.broadcast %max3A : f32 to vector<1000x512xf32>
    %max3A_63 = arith.maximumf %mul3A_61, %max3A_62 : vector<1000x512xf32>
    %div3A_64 = arith.divf %dot_general3A_48, %max3A_63 : vector<1000x512xf32>
    %reduce_max3A_65 = arith.constant dense<0xFF800000> : vector<512xf32>
    %reduce_max3A_66 = vector.multi_reduction <maximumf>, %div3A_64, %reduce_max3A_65 [0] : vector<1000x512xf32> to vector<512xf32>
    %broadcast_in_dim3A_67 = vector.shape_cast %reduce_max3A_66 : vector<512xf32> to vector<1x512xf32>
    %sub3A_68 = vector.broadcast %broadcast_in_dim3A_67 : vector<1x512xf32> to vector<1000x512xf32>
    %sub3A_69 = arith.subf %div3A_64, %sub3A_68 : vector<1000x512xf32>
    %exp3A_70 = math.exp %sub3A_69 : vector<1000x512xf32>
    %reduce_sum3A_71 = arith.constant dense<0.000000e+00> : vector<512xf32>
    %reduce_sum3A_72 = vector.multi_reduction <add>, %exp3A_70, %reduce_sum3A_71 [0] : vector<1000x512xf32> to vector<512xf32>
    %broadcast_in_dim3A_73 = vector.shape_cast %reduce_sum3A_72 : vector<512xf32> to vector<1x512xf32>
    %div3A_74 = vector.broadcast %broadcast_in_dim3A_73 : vector<1x512xf32> to vector<1000x512xf32>
    %div3A_75 = arith.divf %exp3A_70, %div3A_74 : vector<1000x512xf32>
    %mul3A_76 = arith.mulf %div3A_75, %convert_element_type3A_36 : vector<1000x512xf32>
    %reduce_sum3A_77 = vector.shape_cast %mul3A_76 : vector<1000x512xf32> to vector<1x1000x512xf32>
    %reduce_sum3A_78 = arith.constant dense<0.000000e+00> : vector<1xf32>
    %reduce_sum3A_79 = vector.multi_reduction <add>, %reduce_sum3A_77, %reduce_sum3A_78 [1, 2] : vector<1x1000x512xf32> to vector<1xf32>
    %reduce_sum3A_80 = vector.shape_cast %reduce_sum3A_79 : vector<1xf32> to vector<1x1x1xf32>
    %reduce_sum3A_81 = vector.extract %reduce_sum3A_80[0, 0, 0] : f32 from vector<1x1x1xf32>
    %mul3A_82 = arith.mulf %div3A_75, %div3A_75 : vector<1000x512xf32>
    %reduce_sum3A_83 = vector.shape_cast %mul3A_82 : vector<1000x512xf32> to vector<1x1000x512xf32>
    %reduce_sum3A_84 = arith.constant dense<0.000000e+00> : vector<1xf32>
    %reduce_sum3A_85 = vector.multi_reduction <add>, %reduce_sum3A_83, %reduce_sum3A_84 [1, 2] : vector<1x1000x512xf32> to vector<1xf32>
    %reduce_sum3A_86 = vector.shape_cast %reduce_sum3A_85 : vector<1xf32> to vector<1x1x1xf32>
    %reduce_sum3A_87 = vector.extract %reduce_sum3A_86[0, 0, 0] : f32 from vector<1x1x1xf32>
    %sub3A_88 = arith.subf %div3A_9, %div3A_24 : vector<1000x512xf32>
    %sub3A_89 = arith.subf %sub3A_13, %sub3A_29 : vector<1000x512xf32>
    %mul3A_90 = arith.mulf %sub3A_88, %sub3A_89 : vector<1000x512xf32>
    %reduce_sum3A_91 = vector.shape_cast %mul3A_90 : vector<1000x512xf32> to vector<1x1000x512xf32>
    %reduce_sum3A_92 = arith.constant dense<0.000000e+00> : vector<1xf32>
    %reduce_sum3A_93 = vector.multi_reduction <add>, %reduce_sum3A_91, %reduce_sum3A_92 [1, 2] : vector<1x1000x512xf32> to vector<1xf32>
    %reduce_sum3A_94 = vector.shape_cast %reduce_sum3A_93 : vector<1xf32> to vector<1x1x1xf32>
    %reduce_sum3A_95 = vector.extract %reduce_sum3A_94[0, 0, 0] : f32 from vector<1x1x1xf32>
    %add3A = arith.addf %div3A_9, %div3A_24 : vector<1000x512xf32>
    %mul3A_96 = arith.constant 5.000000e-01 : f32
    %mul3A_97 = vector.broadcast %mul3A_96 : f32 to vector<1000x512xf32>
    %mul3A_98 = arith.mulf %mul3A_97, %add3A : vector<1000x512xf32>
    %log3A_99 = math.log %mul3A_98 : vector<1000x512xf32>
    %reduce_sum3A_100 = vector.shape_cast %log3A_99 : vector<1000x512xf32> to vector<1x1000x512xf32>
    %reduce_sum3A_101 = arith.constant dense<0.000000e+00> : vector<1xf32>
    %reduce_sum3A_102 = vector.multi_reduction <add>, %reduce_sum3A_100, %reduce_sum3A_101 [1, 2] : vector<1x1000x512xf32> to vector<1xf32>
    %reduce_sum3A_103 = vector.shape_cast %reduce_sum3A_102 : vector<1xf32> to vector<1x1x1xf32>
    %reduce_sum3A_104 = vector.extract %reduce_sum3A_103[0, 0, 0] : f32 from vector<1x1x1xf32>
    %transpose3A = tpu.transpose %div3A_9, [1, 0] : vector<1000x512xf32> -> vector<512x1000xf32>
    %get3A_105 = arith.constant 0 : index
    %get3A_106 = arith.constant 0 : index
    %get3A_107 = vector.load %arg3[%get3A_105, %get3A_106] : memref<512x1024xf32, #tpu.memory_space<vmem>>, vector<512x1024xf32>
    %slice3A = vector.extract_strided_slice %get3A_107 {offsets = [0, 0], sizes = [512, 1000], strides = [1, 1]} : vector<512x1024xf32> to vector<512x1000xf32>
    %mul3A_108 = arith.constant 0.899999976 : f32
    %mul3A_109 = vector.broadcast %mul3A_108 : f32 to vector<512x1000xf32>
    %mul3A_110 = arith.mulf %mul3A_109, %slice3A : vector<512x1000xf32>
    %mul3A_111 = arith.constant 1.000000e-01 : f32
    %mul3A_112 = vector.broadcast %mul3A_111 : f32 to vector<512x1000xf32>
    %mul3A_113 = arith.mulf %mul3A_112, %transpose3A : vector<512x1000xf32>
    %add3A_114 = arith.addf %mul3A_110, %mul3A_113 : vector<512x1000xf32>
    %sub3A_115 = arith.constant 1.000000e+00 : f32
    %sub3A_116 = vector.broadcast %sub3A_115 : f32 to vector<512x1000xf32>
    %sub3A_117 = arith.subf %sub3A_116, %add3A_114 : vector<512x1000xf32>
    %add3A_118 = arith.constant 9.99999997E-7 : f32
    %add3A_119 = vector.broadcast %add3A_118 : f32 to vector<512x1000xf32>
    %add3A_120 = arith.addf %sub3A_117, %add3A_119 : vector<512x1000xf32>
    %log3A_121 = math.log %add3A_120 : vector<512x1000xf32>
    %mul3A_122 = arith.mulf %transpose3A, %log3A_121 : vector<512x1000xf32>
    %reduce_sum3A_123 = vector.shape_cast %mul3A_122 : vector<512x1000xf32> to vector<1x512x1000xf32>
    %reduce_sum3A_124 = arith.constant dense<0.000000e+00> : vector<1xf32>
    %reduce_sum3A_125 = vector.multi_reduction <add>, %reduce_sum3A_123, %reduce_sum3A_124 [1, 2] : vector<1x512x1000xf32> to vector<1xf32>
    %reduce_sum3A_126 = vector.shape_cast %reduce_sum3A_125 : vector<1xf32> to vector<1x1x1xf32>
    %reduce_sum3A_127 = vector.extract %reduce_sum3A_126[0, 0, 0] : f32 from vector<1x1x1xf32>
    %eq3A_128 = arith.constant 0 : i32
    %eq3A_129 = arith.cmpi eq, %arg0, %eq3A_128 : i32
    %convert_element_type3A_130 = arith.extui %eq3A_129 : i1 to i32
    %cond3A = arith.constant 0 : i32
    %cond3A_131 = arith.cmpi ne, %convert_element_type3A_130, %cond3A : i32
    scf.if %cond3A_131 {
      %swap3A = arith.constant 0 : index
      %swap3A_141 = memref.load %arg9[%swap3A] : memref<8xf32, #tpu.memory_space<smem>>
      memref.store %reduce_sum3A_41, %arg9[%swap3A] : memref<8xf32, #tpu.memory_space<smem>>
      %swap3A_142 = arith.constant 1 : index
      %swap3A_143 = memref.load %arg9[%swap3A_142] : memref<8xf32, #tpu.memory_space<smem>>
      memref.store %reduce_sum3A_81, %arg9[%swap3A_142] : memref<8xf32, #tpu.memory_space<smem>>
      %swap3A_144 = arith.constant 2 : index
      %swap3A_145 = memref.load %arg9[%swap3A_144] : memref<8xf32, #tpu.memory_space<smem>>
      memref.store %reduce_sum3A_87, %arg9[%swap3A_144] : memref<8xf32, #tpu.memory_space<smem>>
      %swap3A_146 = arith.constant 3 : index
      %swap3A_147 = memref.load %arg9[%swap3A_146] : memref<8xf32, #tpu.memory_space<smem>>
      memref.store %reduce_sum3A_95, %arg9[%swap3A_146] : memref<8xf32, #tpu.memory_space<smem>>
      %swap3A_148 = arith.constant 4 : index
      %swap3A_149 = memref.load %arg9[%swap3A_148] : memref<8xf32, #tpu.memory_space<smem>>
      memref.store %reduce_sum3A_104, %arg9[%swap3A_148] : memref<8xf32, #tpu.memory_space<smem>>
      %swap3A_150 = arith.constant 5 : index
      %swap3A_151 = memref.load %arg9[%swap3A_150] : memref<8xf32, #tpu.memory_space<smem>>
      memref.store %reduce_sum3A_127, %arg9[%swap3A_150] : memref<8xf32, #tpu.memory_space<smem>>
    } else {
    }
    %gt3A = arith.constant 0 : i32
    %gt3A_132 = arith.cmpi sgt, %arg0, %gt3A : i32
    %convert_element_type3A_133 = arith.extui %gt3A_132 : i1 to i32
    %cond3A_134 = arith.constant 0 : i32
    %cond3A_135 = arith.cmpi ne, %convert_element_type3A_133, %cond3A_134 : i32
    scf.if %cond3A_135 {
      %get3A_141 = arith.constant 0 : index
      %get3A_142 = memref.load %arg9[%get3A_141] : memref<8xf32, #tpu.memory_space<smem>>
      %add3A_143 = arith.addf %get3A_142, %reduce_sum3A_41 : f32
      %swap3A = arith.constant 0 : index
      %swap3A_144 = memref.load %arg9[%swap3A] : memref<8xf32, #tpu.memory_space<smem>>
      memref.store %add3A_143, %arg9[%swap3A] : memref<8xf32, #tpu.memory_space<smem>>
      %get3A_145 = arith.constant 1 : index
      %get3A_146 = memref.load %arg9[%get3A_145] : memref<8xf32, #tpu.memory_space<smem>>
      %add3A_147 = arith.addf %get3A_146, %reduce_sum3A_81 : f32
      %swap3A_148 = arith.constant 1 : index
      %swap3A_149 = memref.load %arg9[%swap3A_148] : memref<8xf32, #tpu.memory_space<smem>>
      memref.store %add3A_147, %arg9[%swap3A_148] : memref<8xf32, #tpu.memory_space<smem>>
      %get3A_150 = arith.constant 2 : index
      %get3A_151 = memref.load %arg9[%get3A_150] : memref<8xf32, #tpu.memory_space<smem>>
      %add3A_152 = arith.addf %get3A_151, %reduce_sum3A_87 : f32
      %swap3A_153 = arith.constant 2 : index
      %swap3A_154 = memref.load %arg9[%swap3A_153] : memref<8xf32, #tpu.memory_space<smem>>
      memref.store %add3A_152, %arg9[%swap3A_153] : memref<8xf32, #tpu.memory_space<smem>>
      %get3A_155 = arith.constant 3 : index
      %get3A_156 = memref.load %arg9[%get3A_155] : memref<8xf32, #tpu.memory_space<smem>>
      %add3A_157 = arith.addf %get3A_156, %reduce_sum3A_95 : f32
      %swap3A_158 = arith.constant 3 : index
      %swap3A_159 = memref.load %arg9[%swap3A_158] : memref<8xf32, #tpu.memory_space<smem>>
      memref.store %add3A_157, %arg9[%swap3A_158] : memref<8xf32, #tpu.memory_space<smem>>
      %get3A_160 = arith.constant 4 : index
      %get3A_161 = memref.load %arg9[%get3A_160] : memref<8xf32, #tpu.memory_space<smem>>
      %add3A_162 = arith.addf %get3A_161, %reduce_sum3A_104 : f32
      %swap3A_163 = arith.constant 4 : index
      %swap3A_164 = memref.load %arg9[%swap3A_163] : memref<8xf32, #tpu.memory_space<smem>>
      memref.store %add3A_162, %arg9[%swap3A_163] : memref<8xf32, #tpu.memory_space<smem>>
      %get3A_165 = arith.constant 5 : index
      %get3A_166 = memref.load %arg9[%get3A_165] : memref<8xf32, #tpu.memory_space<smem>>
      %add3A_167 = arith.addf %get3A_166, %reduce_sum3A_127 : f32
      %swap3A_168 = arith.constant 5 : index
      %swap3A_169 = memref.load %arg9[%swap3A_168] : memref<8xf32, #tpu.memory_space<smem>>
      memref.store %add3A_167, %arg9[%swap3A_168] : memref<8xf32, #tpu.memory_space<smem>>
    } else {
    }
    %eq3A_136 = arith.constant 7 : i32
    %eq3A_137 = arith.cmpi eq, %arg0, %eq3A_136 : i32
    %convert_element_type3A_138 = arith.extui %eq3A_137 : i1 to i32
    %cond3A_139 = arith.constant 0 : i32
    %cond3A_140 = arith.cmpi ne, %convert_element_type3A_138, %cond3A_139 : i32
    scf.if %cond3A_140 {
      %get3A_141 = arith.constant 0 : index
      %get3A_142 = memref.load %arg9[%get3A_141] : memref<8xf32, #tpu.memory_space<smem>>
      %neg3A = arith.constant 0.000000e+00 : f32
      %neg3A_143 = arith.subf %neg3A, %get3A_142 : f32
      %div3A_144 = arith.constant 4.096000e+03 : f32
      %div3A_145 = arith.divf %neg3A_143, %div3A_144 : f32
      %get3A_146 = arith.constant 2 : index
      %get3A_147 = memref.load %arg9[%get3A_146] : memref<8xf32, #tpu.memory_space<smem>>
      %get3A_148 = arith.constant 1 : index
      %get3A_149 = memref.load %arg9[%get3A_148] : memref<8xf32, #tpu.memory_space<smem>>
      %mul3A_150 = arith.constant 2.000000e+00 : f32
      %mul3A_151 = arith.mulf %mul3A_150, %get3A_149 : f32
      %sub3A_152 = arith.subf %get3A_147, %mul3A_151 : f32
      %add3A_153 = arith.constant 4.096000e+03 : f32
      %add3A_154 = arith.addf %sub3A_152, %add3A_153 : f32
      %div3A_155 = arith.constant 4.096000e+06 : f32
      %div3A_156 = arith.divf %add3A_154, %div3A_155 : f32
      %get3A_157 = arith.constant 1 : index
      %get3A_158 = memref.load %arg9[%get3A_157] : memref<8xf32, #tpu.memory_space<smem>>
      %div3A_159 = arith.constant 4.096000e+03 : f32
      %div3A_160 = arith.divf %get3A_158, %div3A_159 : f32
      %sub3A_161 = arith.constant 1.000000e+00 : f32
      %sub3A_162 = arith.subf %sub3A_161, %div3A_160 : f32
      %get3A_163 = arith.constant 0 : index
      %get3A_164 = arith.constant 0 : index
      %get3A_165 = memref.load %arg7[%get3A_163, %get3A_164] : memref<1x1xf32, #tpu.memory_space<smem>>
      %mul3A_166 = arith.mulf %sub3A_162, %get3A_165 : f32
      %get3A_167 = arith.constant 3 : index
      %get3A_168 = memref.load %arg9[%get3A_167] : memref<8xf32, #tpu.memory_space<smem>>
      %div3A_169 = arith.constant 4.096000e+03 : f32
      %div3A_170 = arith.divf %get3A_168, %div3A_169 : f32
      %log3A_171 = arith.constant 1.000000e+03 : f32
      %log3A_172 = math.log %log3A_171 : f32
      %neg3A_173 = arith.constant 0.000000e+00 : f32
      %neg3A_174 = arith.subf %neg3A_173, %log3A_172 : f32
      %get3A_175 = arith.constant 4 : index
      %get3A_176 = memref.load %arg9[%get3A_175] : memref<8xf32, #tpu.memory_space<smem>>
      %div3A_177 = arith.constant 4.096000e+06 : f32
      %div3A_178 = arith.divf %get3A_176, %div3A_177 : f32
      %sub3A_179 = arith.subf %neg3A_174, %div3A_178 : f32
      %get3A_180 = arith.constant 5 : index
      %get3A_181 = memref.load %arg9[%get3A_180] : memref<8xf32, #tpu.memory_space<smem>>
      %neg3A_182 = arith.constant 0.000000e+00 : f32
      %neg3A_183 = arith.subf %neg3A_182, %get3A_181 : f32
      %div3A_184 = arith.constant 4.096000e+03 : f32
      %div3A_185 = arith.divf %neg3A_183, %div3A_184 : f32
      %add3A_186 = arith.addf %div3A_145, %div3A_156 : f32
      %add3A_187 = arith.addf %add3A_186, %mul3A_166 : f32
      %mul3A_188 = arith.constant 1.000000e+00 : f32
      %mul3A_189 = arith.mulf %mul3A_188, %div3A_170 : f32
      %add3A_190 = arith.addf %add3A_187, %mul3A_189 : f32
      %mul3A_191 = arith.constant 1.000000e+00 : f32
      %mul3A_192 = arith.mulf %mul3A_191, %sub3A_179 : f32
      %add3A_193 = arith.addf %add3A_190, %mul3A_192 : f32
      %mul3A_194 = arith.constant 3.000000e+00 : f32
      %mul3A_195 = arith.mulf %mul3A_194, %div3A_185 : f32
      %add3A_196 = arith.addf %add3A_193, %mul3A_195 : f32
      %swap3A = arith.constant 0 : index
      %swap3A_197 = arith.constant 0 : index
      %swap3A_198 = memref.load %arg8[%swap3A, %swap3A_197] : memref<1x1xf32, #tpu.memory_space<smem>>
      memref.store %add3A_196, %arg8[%swap3A, %swap3A_197] : memref<1x1xf32, #tpu.memory_space<smem>>
    } else {
    }
    return
  }
  func.func @transform_0(%arg0: i32) -> (i32, i32) {
    %c0_i32 = arith.constant 0 : i32
    %c0_i32_0 = arith.constant 0 : i32
    return %c0_i32, %arg0 : i32, i32
  }
  func.func @transform_1(%arg0: i32) -> (i32, i32) {
    %c0_i32 = arith.constant 0 : i32
    %c0_i32_0 = arith.constant 0 : i32
    return %c0_i32, %arg0 : i32, i32
  }
  func.func @transform_2(%arg0: i32) -> (i32, i32) {
    %c0_i32 = arith.constant 0 : i32
    %c0_i32_0 = arith.constant 0 : i32
    return %arg0, %c0_i32 : i32, i32
  }
  func.func @transform_3(%arg0: i32) -> (i32, i32, i32) {
    %c0_i32 = arith.constant 0 : i32
    %c0_i32_0 = arith.constant 0 : i32
    %c0_i32_1 = arith.constant 0 : i32
    return %arg0, %c0_i32, %c0_i32_0 : i32, i32, i32
  }
  func.func @transform_4(%arg0: i32) -> (i32, i32) {
    %c0_i32 = arith.constant 0 : i32
    %c0_i32_0 = arith.constant 0 : i32
    return %arg0, %c0_i32 : i32, i32
  }
  func.func @transform_5(%arg0: i32) -> (i32, i32) {
    %c0_i32 = arith.constant 0 : i32
    %c0_i32_0 = arith.constant 0 : i32
    %c0_i32_1 = arith.constant 0 : i32
    return %c0_i32, %c0_i32_0 : i32, i32
  }
  func.func @transform_6(%arg0: i32) -> (i32, i32) {
    %c0_i32 = arith.constant 0 : i32
    %c0_i32_0 = arith.constant 0 : i32
    %c0_i32_1 = arith.constant 0 : i32
    return %c0_i32, %c0_i32_0 : i32, i32
  }
  func.func @transform_7(%arg0: i32) -> (i32, i32) {
    %c0_i32 = arith.constant 0 : i32
    %c0_i32_0 = arith.constant 0 : i32
    %c0_i32_1 = arith.constant 0 : i32
    return %c0_i32, %c0_i32_0 : i32, i32
  }
}

module attributes {stable_mosaic.version = 14 : i64} {
  func.func @_repack_body(%arg0: i32, %arg1: memref<1000x2048xf32, #tpu.memory_space<vmem>>, %arg2: memref<2048x1024xf32, #tpu.memory_space<vmem>>) attributes {dimension_semantics = [#tpu.dimension_semantics<arbitrary>], iteration_bounds = array<i64: 49>, scalar_prefetch = 0 : i64, scratch_operands = 0 : i64, tpu.core_type = #tpu.core_type<tc>, window_params = [{transform_indices = @transform_0, window_bounds = array<i64: 1000, 2048>}, {transform_indices = @transform_1, window_bounds = array<i64: 2048, 1024>}]} {
    %get3A = arith.constant 0 : index
    %get3A_0 = arith.constant 0 : index
    %get3A_1 = vector.load %arg1[%get3A, %get3A_0] : memref<1000x2048xf32, #tpu.memory_space<vmem>>, vector<1000x2048xf32>
    %transpose3A = tpu.transpose %get3A_1, [1, 0] : vector<1000x2048xf32> -> vector<2048x1000xf32>
    %broadcast_in_dim3A = arith.constant 0.000000e+00 : f32
    %broadcast_in_dim3A_2 = vector.broadcast %broadcast_in_dim3A : f32 to vector<2048x24xf32>
    %concatenate3A = tpu.concatenate %transpose3A, %broadcast_in_dim3A_2 in 1 : vector<2048x1000xf32>, vector<2048x24xf32> -> vector<2048x1024xf32>
    %swap3A = arith.constant 0 : index
    %swap3A_3 = arith.constant 0 : index
    %swap3A_4 = vector.load %arg2[%swap3A, %swap3A_3] : memref<2048x1024xf32, #tpu.memory_space<vmem>>, vector<2048x1024xf32>
    tpu.vector_store %arg2[%swap3A, %swap3A_3], %concatenate3A {strides = array<i32>} : memref<2048x1024xf32, #tpu.memory_space<vmem>>, vector<2048x1024xf32>,
    return
  }
  func.func @transform_0(%arg0: i32) -> (i32, i32) {
    %c0_i32 = arith.constant 0 : i32
    %c0_i32_0 = arith.constant 0 : i32
    return %c0_i32, %arg0 : i32, i32
  }
  func.func @transform_1(%arg0: i32) -> (i32, i32) {
    %c0_i32 = arith.constant 0 : i32
    %c0_i32_0 = arith.constant 0 : i32
    return %arg0, %c0_i32 : i32, i32
  }
}

</mosaic_0001>

<sc_bundles>
// kernel: kernel.5.cloned.1.call-start
scs
__scs_entry_jumppad:
0x0: {  	(pc) =	sbr.rel $0x88, $3  }
0x1: {  	(tag) =	ssettag $0x0;
	lr =	simm.s32 $0x1  }
0x2: {  	[smem:$0x3F99] =	sst lr;
	_ =	strace $0xD0000000  }
0x3: {  	_ = 	snop  }
0x4: {  	_ = 	snop  }
0x5: {  	_ = 	snop  }
0x6: {  	_ = 	snop  }
0x7: {  	_ = 	snop  }
__scs_overlays_trampoline_lowered:
0x8: {  	[smem:$0x3FA8] =	sst s0  }
0x9: {  	[smem:$0x3FA9] =	sst s1  }
0xa: {  	[smem:$0x3FAA] =	sst s2  }
0xb: {  	[smem:$0x3FAB] =	sst s3  }
0xc: {  	[smem:$0x3FAC] =	sst s4  }
0xd: {  	[smem:$0x3FAD] =	sst s5  }
0xe: {  	[smem:$0x3FAE] =	sst s6  }
0xf: {  	[smem:$0x3FAF] =	sst s7  }
0x10: {  	[smem:$0x3FB0] =	sst s8  }
0x11: {  	[smem:$0x3FB1] =	sst s9;
	s0 =	simm.s32 @!p0 $0x0  }
0x12: {  	s1 =	sld [smem:$0x3F97];
	s0 =	simm.s32 @p0 $0x1  }
0x13: {  	[smem:$0x3FB2] =	sst s0;
	s0 =	simm.s32 @!p1 $0x0  }
0x14: {  	s2 =	sld [smem:$0x3F96];
	s0 =	simm.s32 @p1 $0x1  }
0x15: {  	[smem:$0x3FB3] =	sst s0;
	s0 =	simm.s32 @!p2 $0x0  }
0x16: {  	s3 =	sld [smem:$0x3FDB];
	s0 =	simm.s32 @p2 $0x1  }
0x17: {  	s4 =	simm.s32 $0x1BF5;
	[smem:$0x3FB5] =	sst s0  }
0x18: {  	s0 =	sld [smem:$0x3F98];
	_ =	swait.ge [sflag:s4], $0x0  }
0x19: {  	s7 =	sld [smem:$0x3F99]  }
0x1a: {  	s8 =	sadd.s32 $0xFFFFE003, lr  }
0x1b: {  	s9 =	sadd.s32 $0xFFFFFEF7, lr;
	s5 =	simm.s32 $0xFFFFFFFF;
	p2 =	slt.u32 s8, $0xFFFFF086  }
0x1c: {  	p1 =	slt.u32 s9, $0xF7A;
	s5 =	simm.s32 @!p2 $0x0  }
0x1d: {  	s5 =	simm.s32 @p1 $0x1;
	p0 =	seq.s32 s7, s2  }
0x1e: {  	s7 =	smul.u32 @!p0 $0xF7A, s2;
	p2 =	seq.s32 @!p0 s5, $0x0  }
0x1f: {  	s9 =	smul.u32 $0xF7A, s1;
	s8 =	simm.s32 @!p0 $0x1BF5;
	p2 =	por !p2, p0  }
0x20: {  	[sflag:s8] =	ssyncset.s32 @!p0 $0xFFFFF086;
	s6 =	sadd.s32 @!p0 s3, s7;
	s7 =	simm.s32 @!p0 $0x108  }
0x21: {  	s3 =	sadd.s32 s3, s9;
	s6 =	sadd.s32 @!p0 $0x88, s6;
	s7 =	simm.s32 @p2 $0x1082  }
0x22: {  	[simem:s7], [sflag:s8] =	dma.local @!p0 [hbm:s6], $0xF7A  }
0x23: {  	s9 =	sor.u32 $0xD0000000, s2;
	s6 =	simm.s32 $0x108;
	_ =	swait.ge @!p0 [sflag:s8], $0x0  }
0x24: {  	s3 =	sadd.s32 $0x88, s3;
	s6 =	simm.s32 @!p1 $0x1082;
	[sflag:s4] =	ssyncset.s32 $0xFFFFF086  }
0x25: {  	[simem:s6], [sflag:s4] =	dma.local [hbm:s3], $0xF7A  }
0x26: {  	[smem:$0x3F99] =	sst s1;
	(tag) =	ssettag s2;
	_ =	strace s9  }
0x27: {  	s1 =	sld [smem:$0x3FA9]  }
0x28: {  	s2 =	sld [smem:$0x3FAA]  }
0x29: {  	s4 =	sld [smem:$0x3FAC]  }
0x2a: {  	p0 =	seq.s32 s5, $0x0;
	s5 =	sld [smem:$0x3FAD]  }
0x2b: {  	s6 =	sld [smem:$0x3FAE]  }
0x2c: {  	s7 =	sld [smem:$0x3FAF]  }
0x2d: {  	s3 =	simm.s32 $0x108;
	s8 =	sld [smem:$0x3FB0]  }
0x2e: {  	s3 =	simm.s32 @!p0 $0x1082;
	s9 =	sld [smem:$0x3FB1]  }
0x2f: {  	lr =	sadd.s32 s0, s3;
	s0 =	sld [smem:$0x3FA8]  }
0x30: {  	s3 =	sld [smem:$0x3FAB]  }
0x31: {  	[smem:$0x3FB4] =	sst s10  }
0x32: {  	s10 =	sld [smem:$0x3FB2];
	_ =	sdelay $0x3  }
0x33: {  	p0 =	seq.s32 s10, $0x1;
	s10 =	sld [smem:$0x3FB4];
	_ =	sdelay $0x3  }
0x34: {  	[smem:$0x3FB4] =	sst s10  }
0x35: {  	s10 =	sld [smem:$0x3FB3];
	_ =	sdelay $0x3  }
0x36: {  	p1 =	seq.s32 s10, $0x1;
	s10 =	sld [smem:$0x3FB4];
	_ =	sdelay $0x3  }
0x37: {  	[smem:$0x3FB4] =	sst s10  }
0x38: {  	s10 =	sld [smem:$0x3FB5]  }
0x39: {  	_ = 	snop;
	(pc) =	sbr.ind lr, $3  }
0x3a: {  	_ = 	snop  }
0x3b: {  	_ = 	snop  }
0x3c: {  	p2 =	seq.s32 s10, $0x1;
	s10 =	sld [smem:$0x3FB4]  }
0x3d: {  	_ =	shalt  }
0x3e: {  	_ =	shalt  }
0x3f: {  	_ =	shalt  }
0x40: {  	_ =	shalt  }
0x41: {  	_ =	shalt  }
0x42: {  	_ =	shalt  }
0x43: {  	_ =	shalt  }
0x44: {  	_ =	shalt  }
0x45: {  	_ =	shalt  }
0x46: {  	_ =	shalt  }
0x47: {  	_ =	shalt  }
0x48: {  	_ =	shalt  }
0x49: {  	_ =	shalt  }
0x4a: {  	_ =	shalt  }
0x4b: {  	_ =	shalt  }
0x4c: {  	_ =	shalt  }
0x4d: {  	_ =	shalt  }
0x4e: {  	_ =	shalt  }
0x4f: {  	_ =	shalt  }
0x50: {  	_ =	shalt  }
0x51: {  	_ =	shalt  }
0x52: {  	_ =	shalt  }
0x53: {  	_ =	shalt  }
0x54: {  	_ =	shalt  }
0x55: {  	_ =	shalt  }
0x56: {  	_ =	shalt  }
0x57: {  	_ =	shalt  }
0x58: {  	_ =	shalt  }
0x59: {  	_ =	shalt  }
0x5a: {  	_ =	shalt  }
0x5b: {  	_ =	shalt  }
0x5c: {  	_ =	shalt  }
0x5d: {  	_ =	shalt  }
0x5e: {  	_ =	shalt  }
0x5f: {  	_ =	shalt  }
0x60: {  	_ =	shalt  }
0x61: {  	_ =	shalt  }
0x62: {  	_ =	shalt  }
0x63: {  	_ =	shalt  }
0x64: {  	_ =	shalt  }
0x65: {  	_ =	shalt  }
0x66: {  	_ =	shalt  }
0x67: {  	_ =	shalt  }
0x68: {  	_ =	shalt  }
0x69: {  	_ =	shalt  }
0x6a: {  	_ =	shalt  }
0x6b: {  	_ =	shalt  }
0x6c: {  	_ =	shalt  }
0x6d: {  	_ =	shalt  }
0x6e: {  	_ =	shalt  }
0x6f: {  	_ =	shalt  }
0x70: {  	_ =	shalt  }
0x71: {  	_ =	shalt  }
0x72: {  	_ =	shalt  }
0x73: {  	_ =	shalt  }
0x74: {  	_ =	shalt  }
0x75: {  	_ =	shalt  }
0x76: {  	_ =	shalt  }
0x77: {  	_ =	shalt  }
0x78: {  	_ =	shalt  }
0x79: {  	_ =	shalt  }
0x7a: {  	_ =	shalt  }
0x7b: {  	_ =	shalt  }
0x7c: {  	_ =	shalt  }
0x7d: {  	_ =	shalt  }
0x7e: {  	_ =	shalt  }
0x7f: {  	_ =	shalt  }
0x80: {  	_ =	shalt  }
0x81: {  	_ =	shalt  }
0x82: {  	_ =	shalt  }
0x83: {  	_ =	shalt  }
0x84: {  	_ =	shalt  }
0x85: {  	_ =	shalt  }
0x86: {  	_ =	shalt  }
0x87: {  	_ =	shalt  }
.Lfunc_end0:
.L_simem_size_0:
called_computation_lowered:
.L_overlay_start_0:
0x88: {  	s2 =	sld [smem:$0x3FD9]  }
0x89: {  	s3 =	sld [smem:$0x3FFE];
	_ =	sdelay $0x1  }
0x8a: {  	s1 =	srdreg.scid  }
0x8b: {  	s0 =	sand.u32 $0x1, s1  }
0x8c: {  	s17 =	sshll.u32 s0, $0xA;
	s2 =	sadd.s32 s3, s2  }
0x8d: {  	s2 =	sadd.s32 s2, s17  }
0x8e: {  	[smem:$0x3FC0] =	sst s2  }
0x8f: {  	_ = 	snop  }
0x90: {  	s2 =	sld [smem:$0x3FC5];
	(tm) =	ssettm $0x1  }
0x91: {  	s18 =	sld [smem:$0x3FFB];
	_ =	sdelay $0x3  }
0x92: {  	_ =	strace s18  }
0x93: {  	s3 =	sld [smem:$0x3FFC];
	_ =	sdelay $0x3  }
0x94: {  	_ =	strace s3  }
0x95: {  	s3 =	sld [smem:$0x3FFD];
	_ =	sdelay $0x3  }
0x96: {  	_ =	strace s3  }
0x97: {  	_ =	strace $0x8FFFFFFF  }
0x98: {  	s19 =	sld [smem:$0x3FDB];
	_ =	sdelay $0x1  }
0x99: {  	s4 =	simm.s32 $_scs_section_size  }
0x9a: {  	s5 =	simm.s32 $_size__tile_overlayer_lowered;
	s6 =	simm.s32 $_tile_overlayer_lowered  }
0x9b: {  	s22 =	simm.s32 $0x1BFF;
	s21 =	sshll.u32 s6, $0x1;
	s3 =	sadd.s32 s4, s19  }
0x9c: {  	s7 =	simm.s32 $0x0;
	s20 =	sshll.u32 s5, $0x1;
	s5 =	sadd.s32 s21, s3  }
0x9d: {  	[timem:s7], [sflag:s22] =	dma.local [hbm:s5], s20  }
0x9e: {  	_ =	swait.ge [sflag:s22], s20  }
0x9f: {  	s4 =	ssub.s32 $0x0, s20;
	[sflag:s22] =	ssyncset.done $0x0  }
0xa0: {  	[sflag:s22] =	ssyncadd.s32 s4;
	_ =	sdelay $0x1  }
0xa1: {  	s23 =	simm.s32 $0x1B8B  }
0xa2: {  	_ =	swait.ge [sflag:s23], $0x1  }
0xa3: {  	[sflag:s23] =	ssyncset.done $0x0  }
0xa4: {  	s25 =	simm.s32 $0x1B8E;
	s24 =	sld [smem:$0x3FFE];
	[sflag:s23] =	ssyncadd.s32 $0xFFFFFFFF  }
0xa5: {  	s26 =	simm.s32 $execute0_lowered;
	[smem:$0x3FD2] =	sst s25  }
0xa6: {  	s5 =	sshll.u32 s26, $0x1;
	_ =	strace $0x80000046;
	[dreg:$0x1] =	wrdreg $0xFFFFFFFF  }
0xa7: {  	s28 =	simm.s32 $_size_execute0_lowered;
	s3 =	sadd.s32 s3, s5;
	[dreg:$0x0] =	wrdreg $0x0  }
0xa8: {  	s5 =	sshll.u32 s28, $0x1;
	[dreg:$0x2] =	wrdreg s3  }
0xa9: {  	[dreg:$0x3] =	wrdreg s5  }
0xaa: {  	[dreg:$0x4] =	wrdreg $0xC0  }
0xab: {  	_ =	task [dreg:s7], $0x5FFFF  }
0xac: {  	[dreg:$0x1] =	wrdreg $0xFFFFFFFF  }
0xad: {  	[dreg:$0x0] =	wrdreg $0x60  }
0xae: {  	[dreg:$0x2] =	wrdreg s24  }
0xaf: {  	[dreg:$0x3] =	wrdreg s2  }
0xb0: {  	[dreg:$0x4] =	wrdreg $0x9  }
0xb1: {  	_ =	task.clear_ibuf [dreg:s7], $0x5FFFF;
	_ =	strace $0x90000046  }
0xb2: {  	s29 =	simm.s32 $0x9;
	_ =	strace $0x80000048  }
0xb3: {  	_ =	swait.ge [sflag:s29], $0x1  }
0xb4: {  	[sflag:s29] =	ssyncadd.s32 $0xFFFFFFFF  }
0xb5: {  	_ =	strace $0x90000048  }
0xb6: {  	_ =	sfence  }
0xb7: {  	s30 =	sld [smem:$0x0];
	_ =	sdelay $0x2  }
0xb8: {  	s31 =	sshll.u32 s1, $0xD;
	s1 =	sshrl.u32 s1, $0x2  }
0xb9: {  	s3 =	sand.u32 $0x4000, s31;
	s1 =	sadd.s32 s1, s30  }
0xba: {  	s0 =	sor.u32 s3, s0;
	s1 =	sshll.u32 s1, $0x11  }
0xbb: {  	s0 =	sor.u32 s1, s0  }
0xbc: {  	s0 =	sadd.s32 $0x8F2B, s0  }
0xbd: {  	[sflag:s0] =	ssyncadd.remote.s32 $0x1  }
0xbe: {  	_ =	sfence.sel $0xFFFF  }
0xbf: {  	[dreg:$0x0] =	wrdreg $0xFFFFFFFF;
	(pc) =	sbr.abs _section_cstart, $3  }
0xc0: {  	[dreg:$0x1] =	wrdreg $0xFFFFFFFF  }
0xc1: {  	_ =	task.clear_ibuf [dreg:s7], $0x2FFFF;
	_ =	strace $0x9FFFFFFF  }
0xc2: {  	(tm) =	ssettm $0x7FFFFFFF  }
0xc3: {  	_ =	shalt  }
tec
execute0_lowered:
.L_overlay_start_1:
0x0: {  	(tag) =	ssettag $0x1  }
0x1: {  	s0 =	rddreg [dreg:$0x0]  }
0x2: {  	s1 =	rddreg [dreg:$0x1]  }
0x3: {  	s2 =	srdreg.scid;
	s4 =	stileid.u32;
	s18 =	simm.s32 $0x1  }
0x4: {  	s20 =	simm.s32 $0x880;
	s21 =	simm.s32 $0x1080;
	s22 =	simm.s32 $0x1880  }
0x5: {  	s23 =	simm.s32 $0x2080;
	s28 =	simm.s32 $0x4080;
	s29 =	simm.s32 $0x4880  }
0x6: {  	s30 =	simm.s32 $0x5080;
	s31 =	simm.s32 $0x5880;
	s11 =	simm.s32 $0x7880  }
0x7: {  	s12 =	simm.s32 $0x8080;
	s13 =	simm.s32 $0x8880;
	s14 =	simm.s32 $0x9080  }
0x8: {  	s15 =	simm.s32 $0x9880;
	s16 =	simm.s32 $0xA080;
	s17 =	simm.s32 $0xA880  }
0x9: {  	s3 =	sand.u32 $0x1, s2;
	s2 =	simm.s32 $0x0;
	s4 =	sshll.u32 s4, $0x8  }
0xa: {  	s8 =	sadd.s32 $0xC35C00, s0;
	s5 =	sshll.u32 s3, $0x7;
	[smem:$0x7FF] =	sst s2  }
0xb: {  	s24 =	ssub.s32 $0x2, s3;
	s3 =	sadd.s32 $0xC00, s0;
	s5 =	sor.u32 s5, s4  }
0xc: {  	_ =	strace $0x80000047;
	s7 =	sshrl.u32 s24, $0x1;
	s4 =	sadd.s32 $0xD00, s0  }
0xd: {  	s6 =	sshrl.u32 s5, $0x3;
	s7 =	ssub.s32 s24, s7;
	s25 =	sshll.u32 s5, $0x7  }
0xe: {  	s9 =	sor.u32 $0x40, s5;
	s5 =	sadd.s32 $0xE00, s0;
	s24 =	simm.s32 $0x2880  }
0xf: {  	s6 =	sadd.s32 s1, s6;
	s10 =	sshrl.u32 s9, $0x3;
	s9 =	sshll.u32 s9, $0x7  }
0x10: {  	s7 =	smax.u32 s7, $0x1;
	[dreg:$0x3] =	wrdreg s6;
	s6 =	sadd.s32 s8, s25  }
0x11: {  	s1 =	sadd.s32 s1, s10;
	s26 =	sadd.s32 s8, s9;
	s8 =	simm.s32 $0x2  }
0x12: {  	v2 =	vlaneseq.u32;
	s25 =	simm.s32 $0x3080;
	s10 =	simm.s32 $0x7080;
	[dreg:$0x4] =	wrdreg s6  }
0x13: {  	vm0 =	vmmov $0xffff;
	v1 =	vshrl.u32 v2, $0x3;
	s9 =	simm.s32 $0xB080;
	s6 =	sadd.s32 $0xF00, s0;
	[dreg:$0x5] =	wrdreg s1  }
0x14: {  	v0 =	vand.u32 $0x7, v2;
	v2 =	vor.u32 $0x8, v2;
	v1 =	vmul.u32 $0x8, v1;
	[dreg:$0x6] =	wrdreg s26;
	s0 =	simm.s32 $0x80;
	s26 =	simm.s32 $0x3880  }
.LBB2_1:
0x15: {  	s19 =	rddreg [dreg:$0x3]  }
0x16: {  	[tilespmem:s2], [sflag:$0x2] =	stream.linear.gather [hbm4b:s19+s2], $0x40, $0x38;
	[tilespmem:$0x10080] =	vst v63  }
0x17: {  	_ =	swait.ge [sflag:s8], $0x40  }
0x18: {  	[sflag:s8] =	ssyncset.done $0x0  }
0x19: {  	[sflag:s8] =	ssyncadd.s32 $0xFFFFFFC0  }
0x1a: {  	v3 =	vld [tilespmem:$0x0];
	_ =	sdelay $0x4  }
0x1b: {  	v4 =	vshll.u32 v3, $0x3  }
0x1c: {  	v3 =	vand.u32 $0x7, v3;
	v4 =	vand.u32 $0xFFFFFFC0, v4  }
0x1d: {  	v3 =	vor.u32 v3, v4  }
0x1e: {  	v4 =	vperm.xlane v3, v0;
	_ =	sdelay $0x1  }
0x1f: {  	v4 =	vadd.s32 v1, v4;
	_ =	sdelay $0x4  }
0x20: {  	[tilespmem:s0], [sflag:$0x1] =	stream.indirect_vreg.gather [hbm4b:s3+s2], $0x80, v4, vm0, $0xb8;
	[tilespmem:$0x10080] =	vst v63  }
0x21: {  	v3 =	vperm.xlane v3, v2  }
0x22: {  	[tilespmem:s20], [sflag:$0x1] =	stream.indirect_vreg.gather [hbm4b:s4+s2], $0x80, v4, vm0, $0xb8;
	[tilespmem:$0x10080] =	vst v63  }
0x23: {  	v3 =	vadd.s32 v1, v3  }
0x24: {  	[tilespmem:s21], [sflag:$0x1] =	stream.indirect_vreg.gather [hbm4b:s5+s2], $0x80, v4, vm0, $0xb8;
	[tilespmem:$0x10080] =	vst v63  }
0x25: {  	_ = 	snop  }
0x26: {  	[tilespmem:s22], [sflag:$0x1] =	stream.indirect_vreg.gather [hbm4b:s6+s2], $0x80, v4, vm0, $0xb8;
	[tilespmem:$0x10080] =	vst v63  }
0x27: {  	_ = 	snop  }
0x28: {  	[tilespmem:s23], [sflag:$0x1] =	stream.indirect_vreg.gather [hbm4b:s3+s2], $0x80, v3, vm0, $0xb8;
	[tilespmem:$0x10080] =	vst v63  }
0x29: {  	_ = 	snop  }
0x2a: {  	[tilespmem:s24], [sflag:$0x1] =	stream.indirect_vreg.gather [hbm4b:s4+s2], $0x80, v3, vm0, $0xb8;
	[tilespmem:$0x10080] =	vst v63  }
0x2b: {  	_ = 	snop  }
0x2c: {  	[tilespmem:s25], [sflag:$0x1] =	stream.indirect_vreg.gather [hbm4b:s5+s2], $0x80, v3, vm0, $0xb8;
	[tilespmem:$0x10080] =	vst v63  }
0x2d: {  	_ = 	snop  }
0x2e: {  	[tilespmem:s26], [sflag:$0x1] =	stream.indirect_vreg.gather [hbm4b:s6+s2], $0x80, v3, vm0, $0xb8;
	[tilespmem:$0x10080] =	vst v63  }
0x2f: {  	v3 =	vld [tilespmem:$0x10];
	_ =	sdelay $0x4  }
0x30: {  	v57 =	vshll.u32 v3, $0x3  }
0x31: {  	v3 =	vand.u32 $0x7, v3;
	v4 =	vand.u32 $0xFFFFFFC0, v57  }
0x32: {  	v3 =	vor.u32 v3, v4  }
0x33: {  	v4 =	vperm.xlane v3, v0;
	_ =	sdelay $0x1  }
0x34: {  	v4 =	vadd.s32 v1, v4;
	_ =	sdelay $0x4  }
0x35: {  	[tilespmem:s28], [sflag:$0x1] =	stream.indirect_vreg.gather [hbm4b:s3+s2], $0x80, v4, vm0, $0xb8;
	[tilespmem:$0x10080] =	vst v63  }
0x36: {  	v3 =	vperm.xlane v3, v2  }
0x37: {  	[tilespmem:s29], [sflag:$0x1] =	stream.indirect_vreg.gather [hbm4b:s4+s2], $0x80, v4, vm0, $0xb8;
	[tilespmem:$0x10080] =	vst v63  }
0x38: {  	v3 =	vadd.s32 v1, v3  }
0x39: {  	[tilespmem:s30], [sflag:$0x1] =	stream.indirect_vreg.gather [hbm4b:s5+s2], $0x80, v4, vm0, $0xb8;
	[tilespmem:$0x10080] =	vst v63  }
0x3a: {  	_ = 	snop  }
0x3b: {  	[tilespmem:s31], [sflag:$0x1] =	stream.indirect_vreg.gather [hbm4b:s6+s2], $0x80, v4, vm0, $0xb8;
	[tilespmem:$0x10080] =	vst v63  }
0x3c: {  	s1 =	simm.s32 $0x6080  }
0x3d: {  	[tilespmem:s1], [sflag:$0x1] =	stream.indirect_vreg.gather [hbm4b:s3+s2], $0x80, v3, vm0, $0xb8;
	[tilespmem:$0x10080] =	vst v63  }
0x3e: {  	s1 =	simm.s32 $0x6880  }
0x3f: {  	[tilespmem:s1], [sflag:$0x1] =	stream.indirect_vreg.gather [hbm4b:s4+s2], $0x80, v3, vm0, $0xb8;
	[tilespmem:$0x10080] =	vst v63  }
0x40: {  	_ = 	snop  }
0x41: {  	[tilespmem:s10], [sflag:$0x1] =	stream.indirect_vreg.gather [hbm4b:s5+s2], $0x80, v3, vm0, $0xb8;
	[tilespmem:$0x10080] =	vst v63  }
0x42: {  	_ = 	snop  }
0x43: {  	[tilespmem:s11], [sflag:$0x1] =	stream.indirect_vreg.gather [hbm4b:s6+s2], $0x80, v3, vm0, $0xb8;
	[tilespmem:$0x10080] =	vst v63  }
0x44: {  	v3 =	vld [tilespmem:$0x20];
	_ =	sdelay $0x4  }
0x45: {  	v58 =	vshll.u32 v3, $0x3  }
0x46: {  	v3 =	vand.u32 $0x7, v3;
	v4 =	vand.u32 $0xFFFFFFC0, v58  }
0x47: {  	v3 =	vor.u32 v3, v4  }
0x48: {  	v4 =	vperm.xlane v3, v0;
	_ =	sdelay $0x1  }
0x49: {  	v4 =	vadd.s32 v1, v4;
	_ =	sdelay $0x4  }
0x4a: {  	[tilespmem:s12], [sflag:$0x1] =	stream.indirect_vreg.gather [hbm4b:s3+s2], $0x80, v4, vm0, $0xb8;
	[tilespmem:$0x10080] =	vst v63  }
0x4b: {  	v3 =	vperm.xlane v3, v2  }
0x4c: {  	[tilespmem:s13], [sflag:$0x1] =	stream.indirect_vreg.gather [hbm4b:s4+s2], $0x80, v4, vm0, $0xb8;
	[tilespmem:$0x10080] =	vst v63  }
0x4d: {  	v3 =	vadd.s32 v1, v3  }
0x4e: {  	[tilespmem:s14], [sflag:$0x1] =	stream.indirect_vreg.gather [hbm4b:s5+s2], $0x80, v4, vm0, $0xb8;
	[tilespmem:$0x10080] =	vst v63  }
0x4f: {  	_ = 	snop  }
0x50: {  	[tilespmem:s15], [sflag:$0x1] =	stream.indirect_vreg.gather [hbm4b:s6+s2], $0x80, v4, vm0, $0xb8;
	[tilespmem:$0x10080] =	vst v63  }
0x51: {  	_ = 	snop  }
0x52: {  	[tilespmem:s16], [sflag:$0x1] =	stream.indirect_vreg.gather [hbm4b:s3+s2], $0x80, v3, vm0, $0xb8;
	[tilespmem:$0x10080] =	vst v63  }
0x53: {  	_ = 	snop  }
0x54: {  	[tilespmem:s17], [sflag:$0x1] =	stream.indirect_vreg.gather [hbm4b:s4+s2], $0x80, v3, vm0, $0xb8;
	[tilespmem:$0x10080] =	vst v63  }
0x55: {  	_ = 	snop  }
0x56: {  	[tilespmem:s9], [sflag:$0x1] =	stream.indirect_vreg.gather [hbm4b:s5+s2], $0x80, v3, vm0, $0xb8;
	[tilespmem:$0x10080] =	vst v63  }
0x57: {  	s19 =	simm.s32 $0xB880  }
0x58: {  	[tilespmem:s19], [sflag:$0x1] =	stream.indirect_vreg.gather [hbm4b:s6+s2], $0x80, v3, vm0, $0xb8;
	[tilespmem:$0x10080] =	vst v63  }
0x59: {  	v3 =	vld [tilespmem:$0x30];
	_ =	sdelay $0x4  }
0x5a: {  	v59 =	vshll.u32 v3, $0x3  }
0x5b: {  	v3 =	vand.u32 $0x7, v3;
	v4 =	vand.u32 $0xFFFFFFC0, v59  }
0x5c: {  	v3 =	vor.u32 v3, v4  }
0x5d: {  	v4 =	vperm.xlane v3, v0;
	_ =	sdelay $0x1  }
0x5e: {  	v4 =	vadd.s32 v1, v4;
	_ =	sdelay $0x3  }
0x5f: {  	s19 =	simm.s32 $0xC080  }
0x60: {  	[tilespmem:s19], [sflag:$0x1] =	stream.indirect_vreg.gather [hbm4b:s3+s2], $0x80, v4, vm0, $0xb8;
	[tilespmem:$0x10080] =	vst v63  }
0x61: {  	v3 =	vperm.xlane v3, v2;
	s19 =	simm.s32 $0xC880  }
0x62: {  	[tilespmem:s19], [sflag:$0x1] =	stream.indirect_vreg.gather [hbm4b:s4+s2], $0x80, v4, vm0, $0xb8;
	[tilespmem:$0x10080] =	vst v63  }
0x63: {  	v3 =	vadd.s32 v1, v3;
	s19 =	simm.s32 $0xD080  }
0x64: {  	[tilespmem:s19], [sflag:$0x1] =	stream.indirect_vreg.gather [hbm4b:s5+s2], $0x80, v4, vm0, $0xb8;
	[tilespmem:$0x10080] =	vst v63  }
0x65: {  	s19 =	simm.s32 $0xD880  }
0x66: {  	[tilespmem:s19], [sflag:$0x1] =	stream.indirect_vreg.gather [hbm4b:s6+s2], $0x80, v4, vm0, $0xb8;
	[tilespmem:$0x10080] =	vst v63  }
0x67: {  	s19 =	simm.s32 $0xE080  }
0x68: {  	[tilespmem:s19], [sflag:$0x1] =	stream.indirect_vreg.gather [hbm4b:s3+s2], $0x80, v3, vm0, $0xb8;
	[tilespmem:$0x10080] =	vst v63  }
0x69: {  	s19 =	simm.s32 $0xE880  }
0x6a: {  	[tilespmem:s19], [sflag:$0x1] =	stream.indirect_vreg.gather [hbm4b:s4+s2], $0x80, v3, vm0, $0xb8;
	[tilespmem:$0x10080] =	vst v63  }
0x6b: {  	s19 =	simm.s32 $0xF080  }
0x6c: {  	[tilespmem:s19], [sflag:$0x1] =	stream.indirect_vreg.gather [hbm4b:s5+s2], $0x80, v3, vm0, $0xb8;
	[tilespmem:$0x10080] =	vst v63  }
0x6d: {  	s19 =	simm.s32 $0xF880  }
0x6e: {  	[tilespmem:s19], [sflag:$0x1] =	stream.indirect_vreg.gather [hbm4b:s6+s2], $0x80, v3, vm0, $0xb8;
	[tilespmem:$0x10080] =	vst v63  }
0x6f: {  	_ =	swait.ge [sflag:s18], $0x10000  }
0x70: {  	[sflag:s18] =	ssyncset.done $0x0  }
0x71: {  	s19 =	rddreg [dreg:$0x4];
	[sflag:s18] =	ssyncadd.s32 $0xFFFF0000  }
0x72: {  	[hbm4b:s19+s2] =	stream.linear.scatter [tilespmem:s0], [sflag:$0x2], $0x10000, $0x38;
	[tilespmem:$0x10080] =	vst v63  }
0x73: {  	_ =	swait.ge [sflag:s8], $0x10000  }
0x74: {  	[sflag:s8] =	ssyncset.done $0x0  }
0x75: {  	s19 =	rddreg [dreg:$0x5];
	[sflag:s8] =	ssyncadd.s32 $0xFFFF0000  }
0x76: {  	[tilespmem:s2], [sflag:$0x2] =	stream.linear.gather [hbm4b:s19+s2], $0x40, $0x38;
	[tilespmem:$0x10080] =	vst v63  }
0x77: {  	_ =	swait.ge [sflag:s8], $0x40  }
0x78: {  	[sflag:s8] =	ssyncset.done $0x0  }
0x79: {  	[sflag:s8] =	ssyncadd.s32 $0xFFFFFFC0  }
0x7a: {  	v3 =	vld [tilespmem:$0x0];
	_ =	sdelay $0x4  }
0x7b: {  	v60 =	vshll.u32 v3, $0x3  }
0x7c: {  	v3 =	vand.u32 $0x7, v3;
	v4 =	vand.u32 $0xFFFFFFC0, v60  }
0x7d: {  	v3 =	vor.u32 v3, v4  }
0x7e: {  	v4 =	vperm.xlane v3, v0;
	_ =	sdelay $0x1  }
0x7f: {  	v4 =	vadd.s32 v1, v4;
	_ =	sdelay $0x4  }
0x80: {  	[tilespmem:s0], [sflag:$0x1] =	stream.indirect_vreg.gather [hbm4b:s3+s2], $0x80, v4, vm0, $0xb8;
	[tilespmem:$0x10080] =	vst v63  }
0x81: {  	v3 =	vperm.xlane v3, v2  }
0x82: {  	[tilespmem:s20], [sflag:$0x1] =	stream.indirect_vreg.gather [hbm4b:s4+s2], $0x80, v4, vm0, $0xb8;
	[tilespmem:$0x10080] =	vst v63  }
0x83: {  	v3 =	vadd.s32 v1, v3  }
0x84: {  	[tilespmem:s21], [sflag:$0x1] =	stream.indirect_vreg.gather [hbm4b:s5+s2], $0x80, v4, vm0, $0xb8;
	[tilespmem:$0x10080] =	vst v63  }
0x85: {  	_ = 	snop  }
0x86: {  	[tilespmem:s22], [sflag:$0x1] =	stream.indirect_vreg.gather [hbm4b:s6+s2], $0x80, v4, vm0, $0xb8;
	[tilespmem:$0x10080] =	vst v63  }
0x87: {  	_ = 	snop  }
0x88: {  	[tilespmem:s23], [sflag:$0x1] =	stream.indirect_vreg.gather [hbm4b:s3+s2], $0x80, v3, vm0, $0xb8;
	[tilespmem:$0x10080] =	vst v63  }
0x89: {  	_ = 	snop  }
0x8a: {  	[tilespmem:s24], [sflag:$0x1] =	stream.indirect_vreg.gather [hbm4b:s4+s2], $0x80, v3, vm0, $0xb8;
	[tilespmem:$0x10080] =	vst v63  }
0x8b: {  	_ = 	snop  }
0x8c: {  	[tilespmem:s25], [sflag:$0x1] =	stream.indirect_vreg.gather [hbm4b:s5+s2], $0x80, v3, vm0, $0xb8;
	[tilespmem:$0x10080] =	vst v63  }
0x8d: {  	_ = 	snop  }
0x8e: {  	[tilespmem:s26], [sflag:$0x1] =	stream.indirect_vreg.gather [hbm4b:s6+s2], $0x80, v3, vm0, $0xb8;
	[tilespmem:$0x10080] =	vst v63  }
0x8f: {  	v3 =	vld [tilespmem:$0x10];
	_ =	sdelay $0x4  }
0x90: {  	v61 =	vshll.u32 v3, $0x3  }
0x91: {  	v3 =	vand.u32 $0x7, v3;
	v4 =	vand.u32 $0xFFFFFFC0, v61  }
0x92: {  	v3 =	vor.u32 v3, v4  }
0x93: {  	v4 =	vperm.xlane v3, v0;
	_ =	sdelay $0x1  }
0x94: {  	v4 =	vadd.s32 v1, v4;
	_ =	sdelay $0x4  }
0x95: {  	[tilespmem:s28], [sflag:$0x1] =	stream.indirect_vreg.gather [hbm4b:s3+s2], $0x80, v4, vm0, $0xb8;
	[tilespmem:$0x10080] =	vst v63  }
0x96: {  	v3 =	vperm.xlane v3, v2  }
0x97: {  	[tilespmem:s29], [sflag:$0x1] =	stream.indirect_vreg.gather [hbm4b:s4+s2], $0x80, v4, vm0, $0xb8;
	[tilespmem:$0x10080] =	vst v63  }
0x98: {  	v3 =	vadd.s32 v1, v3  }
0x99: {  	[tilespmem:s30], [sflag:$0x1] =	stream.indirect_vreg.gather [hbm4b:s5+s2], $0x80, v4, vm0, $0xb8;
	[tilespmem:$0x10080] =	vst v63  }
0x9a: {  	_ = 	snop  }
0x9b: {  	[tilespmem:s31], [sflag:$0x1] =	stream.indirect_vreg.gather [hbm4b:s6+s2], $0x80, v4, vm0, $0xb8;
	[tilespmem:$0x10080] =	vst v63  }
0x9c: {  	s19 =	simm.s32 $0x6080  }
0x9d: {  	[tilespmem:s19], [sflag:$0x1] =	stream.indirect_vreg.gather [hbm4b:s3+s2], $0x80, v3, vm0, $0xb8;
	[tilespmem:$0x10080] =	vst v63  }
0x9e: {  	_ = 	snop  }
0x9f: {  	[tilespmem:s1], [sflag:$0x1] =	stream.indirect_vreg.gather [hbm4b:s4+s2], $0x80, v3, vm0, $0xb8;
	[tilespmem:$0x10080] =	vst v63  }
0xa0: {  	_ = 	snop  }
0xa1: {  	[tilespmem:s10], [sflag:$0x1] =	stream.indirect_vreg.gather [hbm4b:s5+s2], $0x80, v3, vm0, $0xb8;
	[tilespmem:$0x10080] =	vst v63  }
0xa2: {  	_ = 	snop  }
0xa3: {  	[tilespmem:s11], [sflag:$0x1] =	stream.indirect_vreg.gather [hbm4b:s6+s2], $0x80, v3, vm0, $0xb8;
	[tilespmem:$0x10080] =	vst v63  }
0xa4: {  	v3 =	vld [tilespmem:$0x20];
	_ =	sdelay $0x4  }
0xa5: {  	v62 =	vshll.u32 v3, $0x3  }
0xa6: {  	v3 =	vand.u32 $0x7, v3;
	v4 =	vand.u32 $0xFFFFFFC0, v62  }
0xa7: {  	v3 =	vor.u32 v3, v4  }
0xa8: {  	v4 =	vperm.xlane v3, v0;
	_ =	sdelay $0x1  }
0xa9: {  	v4 =	vadd.s32 v1, v4;
	_ =	sdelay $0x4  }
0xaa: {  	[tilespmem:s12], [sflag:$0x1] =	stream.indirect_vreg.gather [hbm4b:s3+s2], $0x80, v4, vm0, $0xb8;
	[tilespmem:$0x10080] =	vst v63  }
0xab: {  	v3 =	vperm.xlane v3, v2  }
0xac: {  	[tilespmem:s13], [sflag:$0x1] =	stream.indirect_vreg.gather [hbm4b:s4+s2], $0x80, v4, vm0, $0xb8;
	[tilespmem:$0x10080] =	vst v63  }
0xad: {  	v3 =	vadd.s32 v1, v3  }
0xae: {  	[tilespmem:s14], [sflag:$0x1] =	stream.indirect_vreg.gather [hbm4b:s5+s2], $0x80, v4, vm0, $0xb8;
	[tilespmem:$0x10080] =	vst v63  }
0xaf: {  	_ = 	snop  }
0xb0: {  	[tilespmem:s15], [sflag:$0x1] =	stream.indirect_vreg.gather [hbm4b:s6+s2], $0x80, v4, vm0, $0xb8;
	[tilespmem:$0x10080] =	vst v63  }
0xb1: {  	_ = 	snop  }
0xb2: {  	[tilespmem:s16], [sflag:$0x1] =	stream.indirect_vreg.gather [hbm4b:s3+s2], $0x80, v3, vm0, $0xb8;
	[tilespmem:$0x10080] =	vst v63  }
0xb3: {  	_ = 	snop  }
0xb4: {  	[tilespmem:s17], [sflag:$0x1] =	stream.indirect_vreg.gather [hbm4b:s4+s2], $0x80, v3, vm0, $0xb8;
	[tilespmem:$0x10080] =	vst v63  }
0xb5: {  	_ = 	snop  }
0xb6: {  	[tilespmem:s9], [sflag:$0x1] =	stream.indirect_vreg.gather [hbm4b:s5+s2], $0x80, v3, vm0, $0xb8;
	[tilespmem:$0x10080] =	vst v63  }
0xb7: {  	s19 =	simm.s32 $0xB880  }
0xb8: {  	[tilespmem:s19], [sflag:$0x1] =	stream.indirect_vreg.gather [hbm4b:s6+s2], $0x80, v3, vm0, $0xb8;
	[tilespmem:$0x10080] =	vst v63  }
0xb9: {  	v3 =	vld [tilespmem:$0x30];
	_ =	sdelay $0x4  }
0xba: {  	v63 =	vshll.u32 v3, $0x3  }
0xbb: {  	v3 =	vand.u32 $0x7, v3;
	v4 =	vand.u32 $0xFFFFFFC0, v63  }
0xbc: {  	v3 =	vor.u32 v3, v4  }
0xbd: {  	v4 =	vperm.xlane v3, v0;
	_ =	sdelay $0x1  }
0xbe: {  	v4 =	vadd.s32 v1, v4;
	_ =	sdelay $0x3  }
0xbf: {  	s19 =	simm.s32 $0xC080  }
0xc0: {  	[tilespmem:s19], [sflag:$0x1] =	stream.indirect_vreg.gather [hbm4b:s3+s2], $0x80, v4, vm0, $0xb8;
	[tilespmem:$0x10080] =	vst v63  }
0xc1: {  	v3 =	vperm.xlane v3, v2;
	s19 =	simm.s32 $0xC880  }
0xc2: {  	[tilespmem:s19], [sflag:$0x1] =	stream.indirect_vreg.gather [hbm4b:s4+s2], $0x80, v4, vm0, $0xb8;
	[tilespmem:$0x10080] =	vst v63  }
0xc3: {  	v3 =	vadd.s32 v1, v3;
	s19 =	simm.s32 $0xD080  }
0xc4: {  	[tilespmem:s19], [sflag:$0x1] =	stream.indirect_vreg.gather [hbm4b:s5+s2], $0x80, v4, vm0, $0xb8;
	[tilespmem:$0x10080] =	vst v63  }
0xc5: {  	s19 =	simm.s32 $0xD880  }
0xc6: {  	[tilespmem:s19], [sflag:$0x1] =	stream.indirect_vreg.gather [hbm4b:s6+s2], $0x80, v4, vm0, $0xb8;
	[tilespmem:$0x10080] =	vst v63  }
0xc7: {  	s19 =	simm.s32 $0xE080  }
0xc8: {  	[tilespmem:s19], [sflag:$0x1] =	stream.indirect_vreg.gather [hbm4b:s3+s2], $0x80, v3, vm0, $0xb8;
	[tilespmem:$0x10080] =	vst v63  }
0xc9: {  	s19 =	simm.s32 $0xE880  }
0xca: {  	[tilespmem:s19], [sflag:$0x1] =	stream.indirect_vreg.gather [hbm4b:s4+s2], $0x80, v3, vm0, $0xb8;
	[tilespmem:$0x10080] =	vst v63  }
0xcb: {  	s19 =	simm.s32 $0xF080  }
0xcc: {  	[tilespmem:s19], [sflag:$0x1] =	stream.indirect_vreg.gather [hbm4b:s5+s2], $0x80, v3, vm0, $0xb8;
	[tilespmem:$0x10080] =	vst v63  }
0xcd: {  	s19 =	simm.s32 $0xF880  }
0xce: {  	[tilespmem:s19], [sflag:$0x1] =	stream.indirect_vreg.gather [hbm4b:s6+s2], $0x80, v3, vm0, $0xb8;
	[tilespmem:$0x10080] =	vst v63  }
0xcf: {  	_ =	swait.ge [sflag:s18], $0x10000  }
0xd0: {  	p0 =	sne.s32 s7, $0x1;
	[sflag:s18] =	ssyncset.done $0x0  }
.Ltmp0:
0xd1: {  	s1 =	rddreg [dreg:$0x6];
	[sflag:s18] =	ssyncadd.s32 $0xFFFF0000;
	(pc) =	sbr.rel @p0 .LBB2_1-.Ltmp0, $4  }
0xd2: {  	[hbm4b:s1+s2] =	stream.linear.scatter [tilespmem:s0], [sflag:$0x2], $0x10000, $0x38;
	[tilespmem:$0x10080] =	vst v63  }
0xd3: {  	_ =	swait.ge [sflag:s8], $0x10000  }
0xd4: {  	[sflag:s8] =	ssyncset.done $0x0  }
0xd5: {  	s7 =	sadd.s32 $0xFFFFFFFF, s7;
	[sflag:s8] =	ssyncadd.s32 $0xFFFF0000  }
0xd6: {  	_ =	sfence.sel $0x180000  }
0xd7: {  	[bflag:$0x0] =	sbarrier.arrive $0xFFFF  }
0xd8: {  	_ =	strace $0x90000047  }
0xd9: {  	s0 =	stileid.u32;
	[bflag:$0x2] =	sbarrier.arrive $0xFFFF  }
0xda: {  	p0 =	sne.s32 s0, $0x0;
	s0 =	rddreg [dreg:$0x2]  }
0xdb: {  	s0 =	sadd.s32 @!p0 $0x100000, s0  }
0xdc: {  	[sflag:s0] =	ssyncadd.tile.s32 @!p0 $0x1;
	_ =	shalt  }
.Lfunc_end2:
_tile_overlayer_lowered:
.L_overlay_start_2:
0xdd: {  	(tag) =	ssettag $0x2  }
0xde: {  	s0 =	rddreg [dreg:$0x0];
	s2 =	stileid.u32  }
0xdf: {  	s1 =	rddreg [dreg:$0x1];
	p0 =	sne.s32 s2, $0x0  }
0xe0: {  	s3 =	rddreg [dreg:$0x2];
	[bflag:$0x3] =	sbarrier.arrive $0xFFFF;
	s2 =	simm.s32 @!p0 $0x1C02  }
0xe1: {  	[timem:s3], [sflag:s2] =	dma.local @!p0 [hbm:s0], s1  }
0xe2: {  	s0 =	simm.s32 @!p0 $0x2  }
0xe3: {  	_ =	swait.ge @!p0 [sflag:s0], s1  }
0xe4: {  	s1 =	ssub.s32 @!p0 $0x0, s1;
	[sflag:s0] =	ssyncset.done @!p0 $0x0  }
0xe5: {  	[sflag:s0] =	ssyncadd.s32 @!p0 s1  }
0xe6: {  	[bflag:$0x3] =	sbarrier.arrive $0xFFFF  }
0xe7: {  	_ =	shalt  }

</sc_bundles>
